<compile_context>
chip_gen: v7x
topology: tpu7x:2x2x1
jax: 0.10.2.dev20260603
libtpu: 0.0.44.dev20260713+nightly
codegen_flags: <defaults>
</compile_context>

<pallas_src>
import functools

import jax
import jax.numpy as jnp
from jax import lax
from jax.experimental import pallas as pl
from jax.experimental.pallas import tpu as pltpu
from jax.experimental.pallas import tpu_sc as plsc

N = 10000
NPAD = 10240
E = 320000
D = 128
NCLS = 40

NC = 2
NS = 16
CHUNK = 128
NCH_TOT = 2560
EPAD = NCH_TOT * CHUNK
RPT = NPAD // NS
STG = 40

_MESH = plsc.VectorSubcoreMesh(core_axis_name="c", subcore_axis_name="s")


@functools.partial(
    pl.kernel,
    out_type=jax.ShapeDtypeStruct((NC, NPAD), jnp.float32),
    mesh=_MESH,
    scratch_types=[
        pltpu.VMEM((NCH_TOT // (NC * NS), CHUNK), jnp.int32),
        pltpu.VMEM((CHUNK,), jnp.float32),
        pltpu.VMEM_SHARED((NPAD,), jnp.float32),
    ],
)
def _sc_degree(dst2d, ones1, zeros1, degp, dstv, ones_v, acc):
    c = lax.axis_index("c")
    s = lax.axis_index("s")
    n_ch = NCH_TOT // (NC * NS)

    pltpu.sync_copy(ones1, ones_v)
    pltpu.sync_copy(zeros1.at[pl.ds(s * RPT, RPT)], acc.at[pl.ds(s * RPT, RPT)])
    pltpu.sync_copy(dst2d.at[pl.ds((c * NS + s) * n_ch, n_ch)], dstv)
    plsc.subcore_barrier()

    def body(j, _):
        pltpu.sync_copy(ones_v, acc.at[dstv.at[j]], add=True)
        return 0

    lax.fori_loop(0, n_ch, body, 0)
    plsc.subcore_barrier()
    pltpu.sync_copy(acc.at[pl.ds(s * RPT, RPT)],
                    degp.at[c, pl.ds(s * RPT, RPT)])


def _gather_scatter_pipeline(table, srcv, dstv, rows, acc, gsems, ssems, n_st):

    def start_g(j):
        b = j % 2
        pltpu.async_copy(table.at[srcv.at[j]], rows.at[b], gsems.at[b])

    def wait_g(j):
        b = j % 2
        pltpu.make_async_copy(table.at[srcv.at[j]], rows.at[b],
                              gsems.at[b]).wait()

    def start_s(j):
        b = j % 2
        pltpu.async_copy(rows.at[b], acc.at[dstv.at[j]], ssems.at[b], add=True)

    def wait_s(j):
        b = j % 2
        pltpu.make_async_copy(rows.at[b], acc.at[dstv.at[j]],
                              ssems.at[b]).wait()

    start_g(0)

    def body(j, _):
        @pl.when(j >= 1)
        def _():
            wait_s(j - 1)

        @pl.when(j + 1 < n_st)
        def _():
            start_g(j + 1)

        wait_g(j)
        start_s(j)
        return 0

    lax.fori_loop(0, n_st, body, 0)
    wait_s(n_st - 1)


@functools.partial(
    pl.kernel,
    out_type=jax.ShapeDtypeStruct((NC, NPAD, D), jnp.float32),
    mesh=_MESH,
    scratch_types=[
        pltpu.VMEM((STG, CHUNK), jnp.int32),
        pltpu.VMEM((STG, CHUNK), jnp.int32),
        pltpu.VMEM((2, CHUNK, D), jnp.float32),
        pltpu.VMEM_SHARED((NPAD, D), jnp.float32),
        pltpu.SemaphoreType.DMA((2,)),
        pltpu.SemaphoreType.DMA((2,)),
    ],
)
def _sc_aggregate(y, src2d, dst2d, zeros128, agg,
                  srcv, dstv, rows, acc, gsems, ssems):
    c = lax.axis_index("c")
    s = lax.axis_index("s")
    n_ch = NCH_TOT // (NC * NS)

    pltpu.sync_copy(zeros128.at[pl.ds(s * RPT, RPT)], acc.at[pl.ds(s * RPT, RPT)])
    plsc.subcore_barrier()

    def stage(t, _):
        pltpu.sync_copy(src2d.at[pl.ds((c * NS + s) * n_ch + t * STG, STG)], srcv)
        pltpu.sync_copy(dst2d.at[pl.ds((c * NS + s) * n_ch + t * STG, STG)], dstv)
        _gather_scatter_pipeline(y, srcv, dstv, rows, acc, gsems, ssems, STG)
        return 0

    lax.fori_loop(0, n_ch // STG, stage, 0)
    plsc.subcore_barrier()
    pltpu.sync_copy(acc.at[pl.ds(s * RPT, RPT)],
                    agg.at[c, pl.ds(s * RPT, RPT)])


BR = 1024


def _inv_sqrt_deg(degp_blk):
    deg = degp_blk[0, :] + degp_blk[1, :]
    return lax.rsqrt(jnp.maximum(deg, 1.0))[:, None]


def _tc_encode_body(text_ref, vis_ref, wt_ref, bt_ref, wv_ref, bv_ref,
                    degp_ref, w0a_ref, w0b_ref, wht_ref, bht_ref,
                    whv_ref, bhv_ref, y_ref, lut_ref, luv_ref):
    h_t = jax.nn.relu(
        jnp.dot(text_ref[...], wt_ref[...], preferred_element_type=jnp.float32, precision=lax.Precision.HIGHEST)
        + bt_ref[...])
    h_v = jax.nn.relu(
        jnp.dot(vis_ref[...], wv_ref[...], preferred_element_type=jnp.float32, precision=lax.Precision.HIGHEST)
        + bv_ref[...])
    inv = _inv_sqrt_deg(degp_ref[...])
    y_ref[...] = (
        jnp.dot(h_t, w0a_ref[...], preferred_element_type=jnp.float32, precision=lax.Precision.HIGHEST)
        + jnp.dot(h_v, w0b_ref[...], preferred_element_type=jnp.float32, precision=lax.Precision.HIGHEST)) * inv
    lut_ref[...] = jnp.dot(h_t, wht_ref[...],
                           preferred_element_type=jnp.float32, precision=lax.Precision.HIGHEST) + bht_ref[...]
    luv_ref[...] = jnp.dot(h_v, whv_ref[...],
                           preferred_element_type=jnp.float32, precision=lax.Precision.HIGHEST) + bhv_ref[...]


_tc_encode = pl.pallas_call(
    _tc_encode_body,
    grid=(-(-N // BR),),
    in_specs=[
        pl.BlockSpec((BR, D), lambda i: (i, 0)),
        pl.BlockSpec((BR, D), lambda i: (i, 0)),
        pl.BlockSpec((D, D), lambda i: (0, 0)),
        pl.BlockSpec((1, D), lambda i: (0, 0)),
        pl.BlockSpec((D, D), lambda i: (0, 0)),
        pl.BlockSpec((1, D), lambda i: (0, 0)),
        pl.BlockSpec((NC, BR), lambda i: (0, i)),
        pl.BlockSpec((D, D), lambda i: (0, 0)),
        pl.BlockSpec((D, D), lambda i: (0, 0)),
        pl.BlockSpec((D, NCLS), lambda i: (0, 0)),
        pl.BlockSpec((1, NCLS), lambda i: (0, 0)),
        pl.BlockSpec((D, NCLS), lambda i: (0, 0)),
        pl.BlockSpec((1, NCLS), lambda i: (0, 0)),
    ],
    out_specs=[
        pl.BlockSpec((BR, D), lambda i: (i, 0)),
        pl.BlockSpec((BR, NCLS), lambda i: (i, 0)),
        pl.BlockSpec((BR, NCLS), lambda i: (i, 0)),
    ],
    out_shape=[
        jax.ShapeDtypeStruct((N, D), jnp.float32),
        jax.ShapeDtypeStruct((N, NCLS), jnp.float32),
        jax.ShapeDtypeStruct((N, NCLS), jnp.float32),
    ],
)


def _tc_mid_body(agg_ref, degp_ref, b0_ref, w1_ref, y2_ref):
    inv = _inv_sqrt_deg(degp_ref[...])
    h1 = jax.nn.relu((agg_ref[0, :, :] + agg_ref[1, :, :]) * inv + b0_ref[...])
    y2_ref[...] = jnp.dot(h1 * inv, w1_ref[...],
                          preferred_element_type=jnp.float32, precision=lax.Precision.HIGHEST)


_tc_mid = pl.pallas_call(
    _tc_mid_body,
    grid=(-(-N // BR),),
    in_specs=[
        pl.BlockSpec((NC, BR, D), lambda i: (0, i, 0)),
        pl.BlockSpec((NC, BR), lambda i: (0, i)),
        pl.BlockSpec((1, D), lambda i: (0, 0)),
        pl.BlockSpec((D, D), lambda i: (0, 0)),
    ],
    out_specs=pl.BlockSpec((BR, D), lambda i: (i, 0)),
    out_shape=jax.ShapeDtypeStruct((N, D), jnp.float32),
)


def _tc_final_body(agg_ref, degp_ref, b1_ref, whc_ref, bhc_ref,
                   lut_ref, luv_ref, final_ref, lc_ref):
    inv = _inv_sqrt_deg(degp_ref[...])
    h2 = jax.nn.relu((agg_ref[0, :, :] + agg_ref[1, :, :]) * inv + b1_ref[...])
    lc = jnp.dot(h2, whc_ref[...], preferred_element_type=jnp.float32, precision=lax.Precision.HIGHEST) + bhc_ref[...]
    lc_ref[...] = lc
    final_ref[...] = (lc + lut_ref[...] + luv_ref[...]) / 3.0


_tc_final = pl.pallas_call(
    _tc_final_body,
    grid=(-(-N // BR),),
    in_specs=[
        pl.BlockSpec((NC, BR, D), lambda i: (0, i, 0)),
        pl.BlockSpec((NC, BR), lambda i: (0, i)),
        pl.BlockSpec((1, D), lambda i: (0, 0)),
        pl.BlockSpec((D, NCLS), lambda i: (0, 0)),
        pl.BlockSpec((1, NCLS), lambda i: (0, 0)),
        pl.BlockSpec((BR, NCLS), lambda i: (i, 0)),
        pl.BlockSpec((BR, NCLS), lambda i: (i, 0)),
    ],
    out_specs=[
        pl.BlockSpec((BR, NCLS), lambda i: (i, 0)),
        pl.BlockSpec((BR, NCLS), lambda i: (i, 0)),
    ],
    out_shape=[
        jax.ShapeDtypeStruct((N, NCLS), jnp.float32),
        jax.ShapeDtypeStruct((N, NCLS), jnp.float32),
    ],
)


def kernel(text_feat, vis_feat, edge_index, W_t, b_t, W_v, b_v,
           W_mp0, b_mp0, W_mp1, b_mp1, W_hc, b_hc, W_ht, b_ht, W_hv, b_hv):
    pad = EPAD - E
    fake = jnp.arange(pad, dtype=jnp.int32)
    src2d = jnp.concatenate(
        [edge_index[0], fake % N]).reshape(NCH_TOT, CHUNK)
    dst2d = jnp.concatenate(
        [edge_index[1], N + fake % (NPAD - N)]).reshape(NCH_TOT, CHUNK)
    zeros1 = jnp.zeros((NPAD,), jnp.float32)
    zeros128 = jnp.zeros((NPAD, D), jnp.float32)
    ones1 = jnp.ones((CHUNK,), jnp.float32)

    degp = _sc_degree(dst2d, ones1, zeros1)
    y, lut, luv = _tc_encode(text_feat, vis_feat,
                             W_t, b_t.reshape(1, D), W_v, b_v.reshape(1, D),
                             degp, W_mp0[:D], W_mp0[D:],
                             W_ht, b_ht.reshape(1, NCLS),
                             W_hv, b_hv.reshape(1, NCLS))
    agg1 = _sc_aggregate(y, src2d, dst2d, zeros128)
    y2 = _tc_mid(agg1, degp, b_mp0.reshape(1, D), W_mp1)
    agg2 = _sc_aggregate(y2, src2d, dst2d, zeros128)
    final, lc = _tc_final(agg2, degp, b_mp1.reshape(1, D),
                          W_hc, b_hc.reshape(1, NCLS), lut, luv)
    return (final, lc, lut, luv)

# --- scband reference (transcript-rebuilt; emitter-appended) ---
"""Pipeline reference for scband-supra-44255343018912 (READ-ONLY COPY).

The authoritative reference and input builder live on the scoring server;
editing this copy changes nothing except your own understanding.
"""

import jax, jax.numpy as jnp
import numpy as np

N_NODES = 10000
N_EDGES = 320000
EMBED = 128
TEXT_IN = 128
VIS_IN = 128
N_CLASSES = 40


def _lin_init(key, fan_in, fan_out):
    bound = 1.0 / np.sqrt(fan_in)
    return jax.random.uniform(key, (fan_in, fan_out), jnp.float32, -bound, bound)


def setup_inputs(seed: int = 0) -> dict:
    key = jax.random.key(seed)
    ks = jax.random.split(key, 16)
    inp = {}
    inp["text_feat"] = jax.random.normal(ks[0], (N_NODES, TEXT_IN), jnp.float32)
    inp["vis_feat"] = jax.random.normal(ks[1], (N_NODES, VIS_IN), jnp.float32)
    inp["edge_index"] = jax.random.randint(ks[2], (2, N_EDGES), 0, N_NODES, dtype=jnp.int32)
    # modality encoders
    inp["W_t"] = _lin_init(ks[3], TEXT_IN, EMBED)
    inp["b_t"] = jnp.zeros((EMBED,), jnp.float32)
    inp["W_v"] = _lin_init(ks[4], VIS_IN, EMBED)
    inp["b_v"] = jnp.zeros((EMBED,), jnp.float32)
    # shared-channel GCN message-passing layers (shared_depth=2, first takes 2*embed)
    inp["W_mp0"] = _lin_init(ks[5], 2 * EMBED, EMBED)
    inp["b_mp0"] = jnp.zeros((EMBED,), jnp.float32)
    inp["W_mp1"] = _lin_init(ks[6], EMBED, EMBED)
    inp["b_mp1"] = jnp.zeros((EMBED,), jnp.float32)
    # classification heads for shared (C) and unique (Ut, Uv) branches
    inp["W_hc"] = _lin_init(ks[7], EMBED, N_CLASSES)
    inp["b_hc"] = jnp.zeros((N_CLASSES,), jnp.float32)
    inp["W_ht"] = _lin_init(ks[8], EMBED, N_CLASSES)
    inp["b_ht"] = jnp.zeros((N_CLASSES,), jnp.float32)
    inp["W_hv"] = _lin_init(ks[9], EMBED, N_CLASSES)
    inp["b_hv"] = jnp.zeros((N_CLASSES,), jnp.float32)
    return inp


def _gcn_conv(h, src, dst, W, b):
    # symmetric-normalized GCN aggregation: D^-1/2 A D^-1/2 h, then linear + relu
    ones = jnp.ones((src.shape[0],), jnp.float32)
    deg = jax.ops.segment_sum(ones, dst, num_segments=N_NODES)
    deg = jnp.maximum(deg, 1.0)
    inv_sqrt = jax.lax.rsqrt(deg)
    norm = inv_sqrt[src] * inv_sqrt[dst]
    msg = h[src] * norm[:, None]
    agg = jax.ops.segment_sum(msg, dst, num_segments=N_NODES)
    return jax.nn.relu(agg @ W + b)


def reference(text_feat, vis_feat, edge_index, W_t, b_t, W_v, b_v,
              W_mp0, b_mp0, W_mp1, b_mp1, W_hc, b_hc, W_ht, b_ht, W_hv, b_hv):
    src = edge_index[0]
    dst = edge_index[1]
    # unique-branch modality encoders (no graph contamination); dropout is eval no-op
    h_t = jax.nn.relu(text_feat @ W_t + b_t)
    h_v = jax.nn.relu(vis_feat @ W_v + b_v)
    # shared channel: concat + message passing
    h_c = jnp.concatenate([h_t, h_v], axis=-1)
    h_c = _gcn_conv(h_c, src, dst, W_mp0, b_mp0)
    h_c = _gcn_conv(h_c, src, dst, W_mp1, b_mp1)
    logits_C = h_c @ W_hc + b_hc
    logits_Ut = h_t @ W_ht + b_ht
    logits_Uv = h_v @ W_hv + b_hv
    logits_final = (logits_C + logits_Ut + logits_Uv) / 3.0
    return (logits_final, logits_C, logits_Ut, logits_Uv)

if __name__ == "__main__":
    import jax
    _d = setup_inputs()
    print(jax.jit(kernel)(*tuple(_d.values())))

</pallas_src>

<mosaic_0001>
#map = affine_map<(d0, d1) -> (0, 0)>
#map1 = affine_map<(d0, d1) -> (0, 0, 0)>
module attributes {stable_mosaic.version = 14 : i64} {
  func.func @_sc_aggregate(%arg0: i32, %arg1: i32, %arg2: memref<10000x128xf32, #tpu.memory_space<hbm>>, %arg3: memref<2560x128xi32, #tpu.memory_space<hbm>>, %arg4: memref<2560x128xi32, #tpu.memory_space<hbm>>, %arg5: memref<10240x128xf32, #tpu.memory_space<hbm>>, %arg6: memref<2x10240x128xf32, #tpu.memory_space<hbm>>, %arg7: memref<40x128xi32, #tpu.memory_space<vmem>>, %arg8: memref<40x128xi32, #tpu.memory_space<vmem>>, %arg9: memref<2x128x128xf32, #tpu.memory_space<vmem>>, %arg10: memref<10240x128xf32, #tpu.memory_space<vmem_shared>>, %arg11: memref<2x!tpu.dma_semaphore, #tpu.memory_space<semaphore_mem>>, %arg12: memref<2x!tpu.dma_semaphore, #tpu.memory_space<semaphore_mem>>) attributes {dimension_semantics = [#tpu.dimension_semantics<core_parallel>, #tpu.dimension_semantics<subcore_parallel>], iteration_bounds = array<i64: 2, 16>, scalar_prefetch = 0 : i64, scratch_operands = 6 : i64, tpu.core_type = #tpu.core_type<sc_vector_subcore>, window_params = [{transform_indices = #map}, {transform_indices = #map}, {transform_indices = #map}, {transform_indices = #map}, {transform_indices = #map1}]} {
    %mul3A = arith.constant 640 : i32
    %mul3A_0 = arith.muli %arg1, %mul3A : i32
    %mul3A_1 = arith.constant 640 : i32
    %mul3A_2 = arith.muli %arg1, %mul3A_1 : i32
    "tpu.region"() ({
      %run_scoped3A = tpu.sem_alloc : memref<!tpu.dma_semaphore, #tpu.memory_space<semaphore_mem>>
      %dma_start3A = arith.constant 0 : i32
      %dma_start3A_14 = tpu.memref_slice %arg10[%mul3A_2, %dma_start3A] : memref<10240x128xf32, #tpu.memory_space<vmem_shared>> -> memref<640x128xf32, #tpu.memory_space<vmem_shared>>
      %dma_start3A_15 = arith.constant 0 : i32
      %dma_start3A_16 = tpu.memref_slice %arg5[%mul3A_0, %dma_start3A_15] : memref<10240x128xf32, #tpu.memory_space<hbm>> -> memref<640x128xf32, #tpu.memory_space<hbm>>
      tpu.enqueue_dma source(%dma_start3A_16 : memref<640x128xf32, #tpu.memory_space<hbm>>) target(%dma_start3A_14 : memref<640x128xf32, #tpu.memory_space<vmem_shared>>) target_semaphore(%run_scoped3A : memref<!tpu.dma_semaphore, #tpu.memory_space<semaphore_mem>>)
      %dma_wait3A = arith.constant 0 : i32
      %dma_wait3A_17 = tpu.memref_slice %arg10[%mul3A_2, %dma_wait3A] : memref<10240x128xf32, #tpu.memory_space<vmem_shared>> -> memref<640x128xf32, #tpu.memory_space<vmem_shared>>
      %dma_wait3A_18 = arith.constant 0 : i32
      %dma_wait3A_19 = tpu.memref_slice %arg5[%mul3A_0, %dma_wait3A_18] : memref<10240x128xf32, #tpu.memory_space<hbm>> -> memref<640x128xf32, #tpu.memory_space<hbm>>
      tpu.wait_dma2 semaphore(%run_scoped3A : memref<!tpu.dma_semaphore, #tpu.memory_space<semaphore_mem>>) src(%dma_wait3A_19 : memref<640x128xf32, #tpu.memory_space<hbm>>) dst(%dma_wait3A_17 : memref<640x128xf32, #tpu.memory_space<vmem_shared>>)
      tpu.yield
    }) : () -> ()
    %barrier3A = arith.constant 0 : index
    tpu.barrier barrier_id(%barrier3A)
    %scan3A = arith.constant 0 : i32
    %scan3A_3 = arith.constant 0 : i32
    %scan3A_4 = arith.constant 2 : i32
    %scan3A_5 = arith.addi %scan3A_3, %scan3A_4 : i32
    %scan3A_6 = arith.constant 1 : i32
    %scan3A_7 = scf.for %scan3A_14 = %scan3A_3 to %scan3A_5 step %scan3A_6 iter_args(%scan3A_15 = %scan3A) -> (i32)  : i32 {
      %mul3A_16 = arith.constant 16 : i32
      %mul3A_17 = arith.muli %arg0, %mul3A_16 : i32
      %add3A = arith.addi %mul3A_17, %arg1 : i32
      %mul3A_18 = arith.constant 80 : i32
      %mul3A_19 = arith.muli %add3A, %mul3A_18 : i32
      %mul3A_20 = arith.constant 40 : i32
      %mul3A_21 = arith.muli %scan3A_14, %mul3A_20 : i32
      %add3A_22 = arith.addi %mul3A_19, %mul3A_21 : i32
      "tpu.region"() ({
        %run_scoped3A = tpu.sem_alloc : memref<!tpu.dma_semaphore, #tpu.memory_space<semaphore_mem>>
        %dma_start3A_67 = arith.constant 0 : i32
        %dma_start3A_68 = tpu.memref_slice %arg3[%add3A_22, %dma_start3A_67] : memref<2560x128xi32, #tpu.memory_space<hbm>> -> memref<40x128xi32, #tpu.memory_space<hbm>>
        %dma_start3A_69 = arith.constant 0 : i32
        %dma_start3A_70 = tpu.memref_slice %arg3[%add3A_22, %dma_start3A_69] : memref<2560x128xi32, #tpu.memory_space<hbm>> -> memref<40x128xi32, #tpu.memory_space<hbm>>
        tpu.enqueue_dma source(%dma_start3A_70 : memref<40x128xi32, #tpu.memory_space<hbm>>) target(%arg7 : memref<40x128xi32, #tpu.memory_space<vmem>>) target_semaphore(%run_scoped3A : memref<!tpu.dma_semaphore, #tpu.memory_space<semaphore_mem>>)
        %dma_wait3A_71 = arith.constant 0 : i32
        %dma_wait3A_72 = tpu.memref_slice %arg3[%add3A_22, %dma_wait3A_71] : memref<2560x128xi32, #tpu.memory_space<hbm>> -> memref<40x128xi32, #tpu.memory_space<hbm>>
        %dma_wait3A_73 = arith.constant 0 : i32
        %dma_wait3A_74 = tpu.memref_slice %arg3[%add3A_22, %dma_wait3A_73] : memref<2560x128xi32, #tpu.memory_space<hbm>> -> memref<40x128xi32, #tpu.memory_space<hbm>>
        tpu.wait_dma2 semaphore(%run_scoped3A : memref<!tpu.dma_semaphore, #tpu.memory_space<semaphore_mem>>) src(%dma_wait3A_74 : memref<40x128xi32, #tpu.memory_space<hbm>>) dst(%arg7 : memref<40x128xi32, #tpu.memory_space<vmem>>)
        tpu.yield
      }) : () -> ()
      %mul3A_23 = arith.constant 16 : i32
      %mul3A_24 = arith.muli %arg0, %mul3A_23 : i32
      %add3A_25 = arith.addi %mul3A_24, %arg1 : i32
      %mul3A_26 = arith.constant 80 : i32
      %mul3A_27 = arith.muli %add3A_25, %mul3A_26 : i32
      %mul3A_28 = arith.constant 40 : i32
      %mul3A_29 = arith.muli %scan3A_14, %mul3A_28 : i32
      %add3A_30 = arith.addi %mul3A_27, %mul3A_29 : i32
      "tpu.region"() ({
        %run_scoped3A = tpu.sem_alloc : memref<!tpu.dma_semaphore, #tpu.memory_space<semaphore_mem>>
        %dma_start3A_67 = arith.constant 0 : i32
        %dma_start3A_68 = tpu.memref_slice %arg4[%add3A_30, %dma_start3A_67] : memref<2560x128xi32, #tpu.memory_space<hbm>> -> memref<40x128xi32, #tpu.memory_space<hbm>>
        %dma_start3A_69 = arith.constant 0 : i32
        %dma_start3A_70 = tpu.memref_slice %arg4[%add3A_30, %dma_start3A_69] : memref<2560x128xi32, #tpu.memory_space<hbm>> -> memref<40x128xi32, #tpu.memory_space<hbm>>
        tpu.enqueue_dma source(%dma_start3A_70 : memref<40x128xi32, #tpu.memory_space<hbm>>) target(%arg8 : memref<40x128xi32, #tpu.memory_space<vmem>>) target_semaphore(%run_scoped3A : memref<!tpu.dma_semaphore, #tpu.memory_space<semaphore_mem>>)
        %dma_wait3A_71 = arith.constant 0 : i32
        %dma_wait3A_72 = tpu.memref_slice %arg4[%add3A_30, %dma_wait3A_71] : memref<2560x128xi32, #tpu.memory_space<hbm>> -> memref<40x128xi32, #tpu.memory_space<hbm>>
        %dma_wait3A_73 = arith.constant 0 : i32
        %dma_wait3A_74 = tpu.memref_slice %arg4[%add3A_30, %dma_wait3A_73] : memref<2560x128xi32, #tpu.memory_space<hbm>> -> memref<40x128xi32, #tpu.memory_space<hbm>>
        tpu.wait_dma2 semaphore(%run_scoped3A : memref<!tpu.dma_semaphore, #tpu.memory_space<semaphore_mem>>) src(%dma_wait3A_74 : memref<40x128xi32, #tpu.memory_space<hbm>>) dst(%arg8 : memref<40x128xi32, #tpu.memory_space<vmem>>)
        tpu.yield
      }) : () -> ()
      %dma_start3A = arith.constant 0 : i32
      %dma_start3A_31 = arith.constant 0 : i32
      %dma_start3A_32 = arith.constant 0 : i32
      %dma_start3A_33 = arith.constant 0 : i32
      %dma_start3A_34 = arith.constant 0 : i32
      %dma_start3A_35 = tpu.memref_slice %arg9[%dma_start3A_31, %dma_start3A_33, %dma_start3A_34] : memref<2x128x128xf32, #tpu.memory_space<vmem>> -> memref<1x128x128xf32, #tpu.memory_space<vmem>>
      %dma_start3A_36 = tpu.memref_squeeze %dma_start3A_35 : memref<1x128x128xf32, #tpu.memory_space<vmem>> -> memref<128x128xf32, #tpu.memory_space<vmem>>
      %dma_start3A_37 = arith.constant 0 : i32
      %dma_start3A_38 = tpu.memref_slice %arg7[%dma_start3A, %dma_start3A_37] : memref<40x128xi32, #tpu.memory_space<vmem>> -> memref<1x128xi32, #tpu.memory_space<vmem>>
      %dma_start3A_39 = tpu.memref_squeeze %dma_start3A_38 : memref<1x128xi32, #tpu.memory_space<vmem>> -> memref<128xi32, #tpu.memory_space<vmem>>
      %dma_start3A_40 = arith.constant 0 : i32
      %dma_start3A_41 = arith.constant 0 : i32
      %dma_start3A_42 = tpu.memref_slice %arg2[%dma_start3A_40, %dma_start3A_41] : memref<10000x128xf32, #tpu.memory_space<hbm>> -> memref<10000x128xf32, #tpu.memory_space<hbm>>
      %dma_start3A_43 = tpu.memref_slice %arg11[%dma_start3A_32] : memref<2x!tpu.dma_semaphore, #tpu.memory_space<semaphore_mem>> -> memref<1x!tpu.dma_semaphore, #tpu.memory_space<semaphore_mem>>
      %dma_start3A_44 = tpu.memref_squeeze %dma_start3A_43 : memref<1x!tpu.dma_semaphore, #tpu.memory_space<semaphore_mem>> -> memref<!tpu.dma_semaphore, #tpu.memory_space<semaphore_mem>>
      tpu.enqueue_indirect_dma source(%dma_start3A_42 : memref<10000x128xf32, #tpu.memory_space<hbm>>) target(%dma_start3A_36 : memref<128x128xf32, #tpu.memory_space<vmem>>) offsets(%dma_start3A_39 : memref<128xi32, #tpu.memory_space<vmem>>) semaphore(%dma_start3A_44 : memref<!tpu.dma_semaphore, #tpu.memory_space<semaphore_mem>>)
      %scan3A_45 = arith.constant 0 : i32
      %scan3A_46 = arith.constant 0 : i32
      %scan3A_47 = arith.constant 40 : i32
      %scan3A_48 = arith.addi %scan3A_46, %scan3A_47 : i32
      %scan3A_49 = arith.constant 1 : i32
      %scan3A_50 = scf.for %scan3A_67 = %scan3A_46 to %scan3A_48 step %scan3A_49 iter_args(%scan3A_68 = %scan3A_45) -> (i32)  : i32 {
        %ge3A = arith.constant 1 : i32
        %ge3A_69 = arith.cmpi sge, %scan3A_67, %ge3A : i32
        %convert_element_type3A = arith.extui %ge3A_69 : i1 to i32
        %cond3A = arith.constant 0 : i32
        %cond3A_70 = arith.cmpi ne, %convert_element_type3A, %cond3A : i32
        scf.if %cond3A_70 {
          %sub3A = arith.constant 1 : i32
          %sub3A_128 = arith.subi %scan3A_67, %sub3A : i32
          %jit3A_129 = arith.constant 2 : i32
          %eq3A_130 = arith.constant 0 : i32
          %eq3A_131 = arith.cmpi eq, %jit3A_129, %eq3A_130 : i32
          %jit3A_132 = arith.constant 1 : i32
          %select_n3A_133 = arith.select %eq3A_131, %jit3A_132, %jit3A_129 : i32
          %rem3A_134 = arith.remsi %sub3A_128, %select_n3A_133 : i32
          %ne3A_135 = arith.constant 0 : i32
          %ne3A_136 = arith.cmpi ne, %rem3A_134, %ne3A_135 : i32
          %lt3A_137 = arith.constant 0 : i32
          %lt3A_138 = arith.cmpi slt, %rem3A_134, %lt3A_137 : i32
          %lt3A_139 = arith.constant 0 : i32
          %lt3A_140 = arith.cmpi slt, %select_n3A_133, %lt3A_139 : i32
          %ne3A_141 = arith.xori %lt3A_138, %lt3A_140 : i1
          %and3A_142 = arith.andi %ne3A_141, %ne3A_136 : i1
          %add3A_143 = arith.addi %rem3A_134, %select_n3A_133 : i32
          %select_n3A_144 = arith.select %and3A_142, %add3A_143, %rem3A_134 : i32
          %dma_wait3A_145 = arith.constant 0 : i32
          %dma_wait3A_146 = arith.constant 0 : i32
          %dma_wait3A_147 = tpu.memref_slice %arg9[%select_n3A_144, %dma_wait3A_145, %dma_wait3A_146] : memref<2x128x128xf32, #tpu.memory_space<vmem>> -> memref<1x128x128xf32, #tpu.memory_space<vmem>>
          %dma_wait3A_148 = tpu.memref_squeeze %dma_wait3A_147 : memref<1x128x128xf32, #tpu.memory_space<vmem>> -> memref<128x128xf32, #tpu.memory_space<vmem>>
          %dma_wait3A_149 = arith.constant 0 : i32
          %dma_wait3A_150 = tpu.memref_slice %arg8[%sub3A_128, %dma_wait3A_149] : memref<40x128xi32, #tpu.memory_space<vmem>> -> memref<1x128xi32, #tpu.memory_space<vmem>>
          %dma_wait3A_151 = tpu.memref_squeeze %dma_wait3A_150 : memref<1x128xi32, #tpu.memory_space<vmem>> -> memref<128xi32, #tpu.memory_space<vmem>>
          %dma_wait3A_152 = arith.constant 0 : i32
          %dma_wait3A_153 = arith.constant 0 : i32
          %dma_wait3A_154 = tpu.memref_slice %arg10[%dma_wait3A_152, %dma_wait3A_153] : memref<10240x128xf32, #tpu.memory_space<vmem_shared>> -> memref<10240x128xf32, #tpu.memory_space<vmem_shared>>
          %dma_wait3A_155 = tpu.memref_slice %arg12[%select_n3A_144] : memref<2x!tpu.dma_semaphore, #tpu.memory_space<semaphore_mem>> -> memref<1x!tpu.dma_semaphore, #tpu.memory_space<semaphore_mem>>
          %dma_wait3A_156 = tpu.memref_squeeze %dma_wait3A_155 : memref<1x!tpu.dma_semaphore, #tpu.memory_space<semaphore_mem>> -> memref<!tpu.dma_semaphore, #tpu.memory_space<semaphore_mem>>
          tpu.wait_indirect_dma semaphore(%dma_wait3A_156 : memref<!tpu.dma_semaphore, #tpu.memory_space<semaphore_mem>>) src(%dma_wait3A_148 : memref<128x128xf32, #tpu.memory_space<vmem>>) dst(%dma_wait3A_154 : memref<10240x128xf32, #tpu.memory_space<vmem_shared>>)
        } else {
        }
        %add3A_71 = arith.constant 1 : i32
        %add3A_72 = arith.addi %scan3A_67, %add3A_71 : i32
        %lt3A = arith.constant 40 : i32
        %lt3A_73 = arith.cmpi slt, %add3A_72, %lt3A : i32
        %convert_element_type3A_74 = arith.extui %lt3A_73 : i1 to i32
        %cond3A_75 = arith.constant 0 : i32
        %cond3A_76 = arith.cmpi ne, %convert_element_type3A_74, %cond3A_75 : i32
        scf.if %cond3A_76 {
          %add3A_128 = arith.constant 1 : i32
          %add3A_129 = arith.addi %scan3A_67, %add3A_128 : i32
          %jit3A_130 = arith.constant 2 : i32
          %eq3A_131 = arith.constant 0 : i32
          %eq3A_132 = arith.cmpi eq, %jit3A_130, %eq3A_131 : i32
          %jit3A_133 = arith.constant 1 : i32
          %select_n3A_134 = arith.select %eq3A_132, %jit3A_133, %jit3A_130 : i32
          %rem3A_135 = arith.remsi %add3A_129, %select_n3A_134 : i32
          %ne3A_136 = arith.constant 0 : i32
          %ne3A_137 = arith.cmpi ne, %rem3A_135, %ne3A_136 : i32
          %lt3A_138 = arith.constant 0 : i32
          %lt3A_139 = arith.cmpi slt, %rem3A_135, %lt3A_138 : i32
          %lt3A_140 = arith.constant 0 : i32
          %lt3A_141 = arith.cmpi slt, %select_n3A_134, %lt3A_140 : i32
          %ne3A_142 = arith.xori %lt3A_139, %lt3A_141 : i1
          %and3A_143 = arith.andi %ne3A_142, %ne3A_137 : i1
          %add3A_144 = arith.addi %rem3A_135, %select_n3A_134 : i32
          %select_n3A_145 = arith.select %and3A_143, %add3A_144, %rem3A_135 : i32
          %dma_start3A_146 = arith.constant 0 : i32
          %dma_start3A_147 = arith.constant 0 : i32
          %dma_start3A_148 = tpu.memref_slice %arg9[%select_n3A_145, %dma_start3A_146, %dma_start3A_147] : memref<2x128x128xf32, #tpu.memory_space<vmem>> -> memref<1x128x128xf32, #tpu.memory_space<vmem>>
          %dma_start3A_149 = tpu.memref_squeeze %dma_start3A_148 : memref<1x128x128xf32, #tpu.memory_space<vmem>> -> memref<128x128xf32, #tpu.memory_space<vmem>>
          %dma_start3A_150 = arith.constant 0 : i32
          %dma_start3A_151 = tpu.memref_slice %arg7[%add3A_129, %dma_start3A_150] : memref<40x128xi32, #tpu.memory_space<vmem>> -> memref<1x128xi32, #tpu.memory_space<vmem>>
          %dma_start3A_152 = tpu.memref_squeeze %dma_start3A_151 : memref<1x128xi32, #tpu.memory_space<vmem>> -> memref<128xi32, #tpu.memory_space<vmem>>
          %dma_start3A_153 = arith.constant 0 : i32
          %dma_start3A_154 = arith.constant 0 : i32
          %dma_start3A_155 = tpu.memref_slice %arg2[%dma_start3A_153, %dma_start3A_154] : memref<10000x128xf32, #tpu.memory_space<hbm>> -> memref<10000x128xf32, #tpu.memory_space<hbm>>
          %dma_start3A_156 = tpu.memref_slice %arg11[%select_n3A_145] : memref<2x!tpu.dma_semaphore, #tpu.memory_space<semaphore_mem>> -> memref<1x!tpu.dma_semaphore, #tpu.memory_space<semaphore_mem>>
          %dma_start3A_157 = tpu.memref_squeeze %dma_start3A_156 : memref<1x!tpu.dma_semaphore, #tpu.memory_space<semaphore_mem>> -> memref<!tpu.dma_semaphore, #tpu.memory_space<semaphore_mem>>
          tpu.enqueue_indirect_dma source(%dma_start3A_155 : memref<10000x128xf32, #tpu.memory_space<hbm>>) target(%dma_start3A_149 : memref<128x128xf32, #tpu.memory_space<vmem>>) offsets(%dma_start3A_152 : memref<128xi32, #tpu.memory_space<vmem>>) semaphore(%dma_start3A_157 : memref<!tpu.dma_semaphore, #tpu.memory_space<semaphore_mem>>)
        } else {
        }
        %jit3A = arith.constant 2 : i32
        %eq3A = arith.constant 0 : i32
        %eq3A_77 = arith.cmpi eq, %jit3A, %eq3A : i32
        %jit3A_78 = arith.constant 1 : i32
        %select_n3A = arith.select %eq3A_77, %jit3A_78, %jit3A : i32
        %rem3A = arith.remsi %scan3A_67, %select_n3A : i32
        %ne3A = arith.constant 0 : i32
        %ne3A_79 = arith.cmpi ne, %rem3A, %ne3A : i32
        %lt3A_80 = arith.constant 0 : i32
        %lt3A_81 = arith.cmpi slt, %rem3A, %lt3A_80 : i32
        %lt3A_82 = arith.constant 0 : i32
        %lt3A_83 = arith.cmpi slt, %select_n3A, %lt3A_82 : i32
        %ne3A_84 = arith.xori %lt3A_81, %lt3A_83 : i1
        %and3A = arith.andi %ne3A_84, %ne3A_79 : i1
        %add3A_85 = arith.addi %rem3A, %select_n3A : i32
        %select_n3A_86 = arith.select %and3A, %add3A_85, %rem3A : i32
        %dma_wait3A_87 = arith.constant 0 : i32
        %dma_wait3A_88 = arith.constant 0 : i32
        %dma_wait3A_89 = tpu.memref_slice %arg9[%select_n3A_86, %dma_wait3A_87, %dma_wait3A_88] : memref<2x128x128xf32, #tpu.memory_space<vmem>> -> memref<1x128x128xf32, #tpu.memory_space<vmem>>
        %dma_wait3A_90 = tpu.memref_squeeze %dma_wait3A_89 : memref<1x128x128xf32, #tpu.memory_space<vmem>> -> memref<128x128xf32, #tpu.memory_space<vmem>>
        %dma_wait3A_91 = arith.constant 0 : i32
        %dma_wait3A_92 = tpu.memref_slice %arg7[%scan3A_67, %dma_wait3A_91] : memref<40x128xi32, #tpu.memory_space<vmem>> -> memref<1x128xi32, #tpu.memory_space<vmem>>
        %dma_wait3A_93 = tpu.memref_squeeze %dma_wait3A_92 : memref<1x128xi32, #tpu.memory_space<vmem>> -> memref<128xi32, #tpu.memory_space<vmem>>
        %dma_wait3A_94 = arith.constant 0 : i32
        %dma_wait3A_95 = arith.constant 0 : i32
        %dma_wait3A_96 = tpu.memref_slice %arg2[%dma_wait3A_94, %dma_wait3A_95] : memref<10000x128xf32, #tpu.memory_space<hbm>> -> memref<10000x128xf32, #tpu.memory_space<hbm>>
        %dma_wait3A_97 = tpu.memref_slice %arg11[%select_n3A_86] : memref<2x!tpu.dma_semaphore, #tpu.memory_space<semaphore_mem>> -> memref<1x!tpu.dma_semaphore, #tpu.memory_space<semaphore_mem>>
        %dma_wait3A_98 = tpu.memref_squeeze %dma_wait3A_97 : memref<1x!tpu.dma_semaphore, #tpu.memory_space<semaphore_mem>> -> memref<!tpu.dma_semaphore, #tpu.memory_space<semaphore_mem>>
        tpu.wait_indirect_dma semaphore(%dma_wait3A_98 : memref<!tpu.dma_semaphore, #tpu.memory_space<semaphore_mem>>) src(%dma_wait3A_96 : memref<10000x128xf32, #tpu.memory_space<hbm>>) dst(%dma_wait3A_90 : memref<128x128xf32, #tpu.memory_space<vmem>>)
        %jit3A_99 = arith.constant 2 : i32
        %eq3A_100 = arith.constant 0 : i32
        %eq3A_101 = arith.cmpi eq, %jit3A_99, %eq3A_100 : i32
        %jit3A_102 = arith.constant 1 : i32
        %select_n3A_103 = arith.select %eq3A_101, %jit3A_102, %jit3A_99 : i32
        %rem3A_104 = arith.remsi %scan3A_67, %select_n3A_103 : i32
        %ne3A_105 = arith.constant 0 : i32
        %ne3A_106 = arith.cmpi ne, %rem3A_104, %ne3A_105 : i32
        %lt3A_107 = arith.constant 0 : i32
        %lt3A_108 = arith.cmpi slt, %rem3A_104, %lt3A_107 : i32
        %lt3A_109 = arith.constant 0 : i32
        %lt3A_110 = arith.cmpi slt, %select_n3A_103, %lt3A_109 : i32
        %ne3A_111 = arith.xori %lt3A_108, %lt3A_110 : i1
        %and3A_112 = arith.andi %ne3A_111, %ne3A_106 : i1
        %add3A_113 = arith.addi %rem3A_104, %select_n3A_103 : i32
        %select_n3A_114 = arith.select %and3A_112, %add3A_113, %rem3A_104 : i32
        %dma_start3A_115 = arith.constant 0 : i32
        %dma_start3A_116 = arith.constant 0 : i32
        %dma_start3A_117 = tpu.memref_slice %arg9[%select_n3A_114, %dma_start3A_115, %dma_start3A_116] : memref<2x128x128xf32, #tpu.memory_space<vmem>> -> memref<1x128x128xf32, #tpu.memory_space<vmem>>
        %dma_start3A_118 = tpu.memref_squeeze %dma_start3A_117 : memref<1x128x128xf32, #tpu.memory_space<vmem>> -> memref<128x128xf32, #tpu.memory_space<vmem>>
        %dma_start3A_119 = arith.constant 0 : i32
        %dma_start3A_120 = tpu.memref_slice %arg8[%scan3A_67, %dma_start3A_119] : memref<40x128xi32, #tpu.memory_space<vmem>> -> memref<1x128xi32, #tpu.memory_space<vmem>>
        %dma_start3A_121 = tpu.memref_squeeze %dma_start3A_120 : memref<1x128xi32, #tpu.memory_space<vmem>> -> memref<128xi32, #tpu.memory_space<vmem>>
        %dma_start3A_122 = arith.constant 0 : i32
        %dma_start3A_123 = arith.constant 0 : i32
        %dma_start3A_124 = tpu.memref_slice %arg10[%dma_start3A_122, %dma_start3A_123] : memref<10240x128xf32, #tpu.memory_space<vmem_shared>> -> memref<10240x128xf32, #tpu.memory_space<vmem_shared>>
        %dma_start3A_125 = tpu.memref_slice %arg12[%select_n3A_114] : memref<2x!tpu.dma_semaphore, #tpu.memory_space<semaphore_mem>> -> memref<1x!tpu.dma_semaphore, #tpu.memory_space<semaphore_mem>>
        %dma_start3A_126 = tpu.memref_squeeze %dma_start3A_125 : memref<1x!tpu.dma_semaphore, #tpu.memory_space<semaphore_mem>> -> memref<!tpu.dma_semaphore, #tpu.memory_space<semaphore_mem>>
        tpu.enqueue_indirect_dma source(%dma_start3A_118 : memref<128x128xf32, #tpu.memory_space<vmem>>) target(%dma_start3A_124 : memref<10240x128xf32, #tpu.memory_space<vmem_shared>>) offsets(%dma_start3A_121 : memref<128xi32, #tpu.memory_space<vmem>>) semaphore(%dma_start3A_126 : memref<!tpu.dma_semaphore, #tpu.memory_space<semaphore_mem>>) {add = true}
        %scan3A_127 = arith.constant 0 : i32
        scf.yield %scan3A_127 : i32
      }
      %scan3A_51 = arith.constant 40 : i32
      %dma_wait3A = arith.constant 1 : i32
      %dma_wait3A_52 = arith.constant 39 : i32
      %dma_wait3A_53 = arith.constant 1 : i32
      %dma_wait3A_54 = arith.constant 0 : i32
      %dma_wait3A_55 = arith.constant 0 : i32
      %dma_wait3A_56 = tpu.memref_slice %arg9[%dma_wait3A, %dma_wait3A_54, %dma_wait3A_55] : memref<2x128x128xf32, #tpu.memory_space<vmem>> -> memref<1x128x128xf32, #tpu.memory_space<vmem>>
      %dma_wait3A_57 = tpu.memref_squeeze %dma_wait3A_56 : memref<1x128x128xf32, #tpu.memory_space<vmem>> -> memref<128x128xf32, #tpu.memory_space<vmem>>
      %dma_wait3A_58 = arith.constant 0 : i32
      %dma_wait3A_59 = tpu.memref_slice %arg8[%dma_wait3A_52, %dma_wait3A_58] : memref<40x128xi32, #tpu.memory_space<vmem>> -> memref<1x128xi32, #tpu.memory_space<vmem>>
      %dma_wait3A_60 = tpu.memref_squeeze %dma_wait3A_59 : memref<1x128xi32, #tpu.memory_space<vmem>> -> memref<128xi32, #tpu.memory_space<vmem>>
      %dma_wait3A_61 = arith.constant 0 : i32
      %dma_wait3A_62 = arith.constant 0 : i32
      %dma_wait3A_63 = tpu.memref_slice %arg10[%dma_wait3A_61, %dma_wait3A_62] : memref<10240x128xf32, #tpu.memory_space<vmem_shared>> -> memref<10240x128xf32, #tpu.memory_space<vmem_shared>>
      %dma_wait3A_64 = tpu.memref_slice %arg12[%dma_wait3A_53] : memref<2x!tpu.dma_semaphore, #tpu.memory_space<semaphore_mem>> -> memref<1x!tpu.dma_semaphore, #tpu.memory_space<semaphore_mem>>
      %dma_wait3A_65 = tpu.memref_squeeze %dma_wait3A_64 : memref<1x!tpu.dma_semaphore, #tpu.memory_space<semaphore_mem>> -> memref<!tpu.dma_semaphore, #tpu.memory_space<semaphore_mem>>
      tpu.wait_indirect_dma semaphore(%dma_wait3A_65 : memref<!tpu.dma_semaphore, #tpu.memory_space<semaphore_mem>>) src(%dma_wait3A_57 : memref<128x128xf32, #tpu.memory_space<vmem>>) dst(%dma_wait3A_63 : memref<10240x128xf32, #tpu.memory_space<vmem_shared>>)
      %scan3A_66 = arith.constant 0 : i32
      scf.yield %scan3A_66 : i32
    }
    %scan3A_8 = arith.constant 2 : i32
    %barrier3A_9 = arith.constant 0 : index
    tpu.barrier barrier_id(%barrier3A_9)
    %mul3A_10 = arith.constant 640 : i32
    %mul3A_11 = arith.muli %arg1, %mul3A_10 : i32
    %mul3A_12 = arith.constant 640 : i32
    %mul3A_13 = arith.muli %arg1, %mul3A_12 : i32
    "tpu.region"() ({
      %run_scoped3A = tpu.sem_alloc : memref<!tpu.dma_semaphore, #tpu.memory_space<semaphore_mem>>
      %dma_start3A = arith.constant 0 : i32
      %dma_start3A_14 = tpu.memref_slice %arg6[%arg0, %mul3A_13, %dma_start3A] : memref<2x10240x128xf32, #tpu.memory_space<hbm>> -> memref<1x640x128xf32, #tpu.memory_space<hbm>>
      %dma_start3A_15 = tpu.memref_squeeze %dma_start3A_14 : memref<1x640x128xf32, #tpu.memory_space<hbm>> -> memref<640x128xf32, #tpu.memory_space<hbm>>
      %dma_start3A_16 = arith.constant 0 : i32
      %dma_start3A_17 = tpu.memref_slice %arg10[%mul3A_11, %dma_start3A_16] : memref<10240x128xf32, #tpu.memory_space<vmem_shared>> -> memref<640x128xf32, #tpu.memory_space<vmem_shared>>
      tpu.enqueue_dma source(%dma_start3A_17 : memref<640x128xf32, #tpu.memory_space<vmem_shared>>) target(%dma_start3A_15 : memref<640x128xf32, #tpu.memory_space<hbm>>) target_semaphore(%run_scoped3A : memref<!tpu.dma_semaphore, #tpu.memory_space<semaphore_mem>>)
      %dma_wait3A = arith.constant 0 : i32
      %dma_wait3A_18 = tpu.memref_slice %arg6[%arg0, %mul3A_13, %dma_wait3A] : memref<2x10240x128xf32, #tpu.memory_space<hbm>> -> memref<1x640x128xf32, #tpu.memory_space<hbm>>
      %dma_wait3A_19 = tpu.memref_squeeze %dma_wait3A_18 : memref<1x640x128xf32, #tpu.memory_space<hbm>> -> memref<640x128xf32, #tpu.memory_space<hbm>>
      %dma_wait3A_20 = arith.constant 0 : i32
      %dma_wait3A_21 = tpu.memref_slice %arg10[%mul3A_11, %dma_wait3A_20] : memref<10240x128xf32, #tpu.memory_space<vmem_shared>> -> memref<640x128xf32, #tpu.memory_space<vmem_shared>>
      tpu.wait_dma2 semaphore(%run_scoped3A : memref<!tpu.dma_semaphore, #tpu.memory_space<semaphore_mem>>) src(%dma_wait3A_21 : memref<640x128xf32, #tpu.memory_space<vmem_shared>>) dst(%dma_wait3A_19 : memref<640x128xf32, #tpu.memory_space<hbm>>)
      tpu.yield
    }) : () -> ()
    return
  }
}

#map = affine_map<(d0, d1) -> (0, 0)>
#map1 = affine_map<(d0, d1) -> (0)>
module attributes {stable_mosaic.version = 14 : i64} {
  func.func @_sc_degree(%arg0: i32, %arg1: i32, %arg2: memref<2560x128xi32, #tpu.memory_space<hbm>>, %arg3: memref<128xf32, #tpu.memory_space<hbm>>, %arg4: memref<10240xf32, #tpu.memory_space<hbm>>, %arg5: memref<2x10240xf32, #tpu.memory_space<hbm>>, %arg6: memref<80x128xi32, #tpu.memory_space<vmem>>, %arg7: memref<128xf32, #tpu.memory_space<vmem>>, %arg8: memref<10240xf32, #tpu.memory_space<vmem_shared>>) attributes {dimension_semantics = [#tpu.dimension_semantics<core_parallel>, #tpu.dimension_semantics<subcore_parallel>], iteration_bounds = array<i64: 2, 16>, scalar_prefetch = 0 : i64, scratch_operands = 3 : i64, tpu.core_type = #tpu.core_type<sc_vector_subcore>, window_params = [{transform_indices = #map}, {transform_indices = #map1}, {transform_indices = #map1}, {transform_indices = #map}]} {
    "tpu.region"() ({
      %run_scoped3A = tpu.sem_alloc : memref<!tpu.dma_semaphore, #tpu.memory_space<semaphore_mem>>
      tpu.enqueue_dma source(%arg3 : memref<128xf32, #tpu.memory_space<hbm>>) target(%arg7 : memref<128xf32, #tpu.memory_space<vmem>>) target_semaphore(%run_scoped3A : memref<!tpu.dma_semaphore, #tpu.memory_space<semaphore_mem>>)
      tpu.wait_dma2 semaphore(%run_scoped3A : memref<!tpu.dma_semaphore, #tpu.memory_space<semaphore_mem>>) src(%arg3 : memref<128xf32, #tpu.memory_space<hbm>>) dst(%arg7 : memref<128xf32, #tpu.memory_space<vmem>>)
      tpu.yield
    }) : () -> ()
    %mul3A = arith.constant 640 : i32
    %mul3A_0 = arith.muli %arg1, %mul3A : i32
    %mul3A_1 = arith.constant 640 : i32
    %mul3A_2 = arith.muli %arg1, %mul3A_1 : i32
    "tpu.region"() ({
      %run_scoped3A = tpu.sem_alloc : memref<!tpu.dma_semaphore, #tpu.memory_space<semaphore_mem>>
      %dma_start3A = tpu.memref_slice %arg8[%mul3A_2] : memref<10240xf32, #tpu.memory_space<vmem_shared>> -> memref<640xf32, #tpu.memory_space<vmem_shared>>
      %dma_start3A_18 = tpu.memref_slice %arg4[%mul3A_0] : memref<10240xf32, #tpu.memory_space<hbm>> -> memref<640xf32, #tpu.memory_space<hbm>>
      tpu.enqueue_dma source(%dma_start3A_18 : memref<640xf32, #tpu.memory_space<hbm>>) target(%dma_start3A : memref<640xf32, #tpu.memory_space<vmem_shared>>) target_semaphore(%run_scoped3A : memref<!tpu.dma_semaphore, #tpu.memory_space<semaphore_mem>>)
      %dma_wait3A = tpu.memref_slice %arg8[%mul3A_2] : memref<10240xf32, #tpu.memory_space<vmem_shared>> -> memref<640xf32, #tpu.memory_space<vmem_shared>>
      %dma_wait3A_19 = tpu.memref_slice %arg4[%mul3A_0] : memref<10240xf32, #tpu.memory_space<hbm>> -> memref<640xf32, #tpu.memory_space<hbm>>
      tpu.wait_dma2 semaphore(%run_scoped3A : memref<!tpu.dma_semaphore, #tpu.memory_space<semaphore_mem>>) src(%dma_wait3A_19 : memref<640xf32, #tpu.memory_space<hbm>>) dst(%dma_wait3A : memref<640xf32, #tpu.memory_space<vmem_shared>>)
      tpu.yield
    }) : () -> ()
    %mul3A_3 = arith.constant 16 : i32
    %mul3A_4 = arith.muli %arg0, %mul3A_3 : i32
    %add3A = arith.addi %mul3A_4, %arg1 : i32
    %mul3A_5 = arith.constant 80 : i32
    %mul3A_6 = arith.muli %add3A, %mul3A_5 : i32
    "tpu.region"() ({
      %run_scoped3A = tpu.sem_alloc : memref<!tpu.dma_semaphore, #tpu.memory_space<semaphore_mem>>
      %dma_start3A = arith.constant 0 : i32
      %dma_start3A_18 = tpu.memref_slice %arg2[%mul3A_6, %dma_start3A] : memref<2560x128xi32, #tpu.memory_space<hbm>> -> memref<80x128xi32, #tpu.memory_space<hbm>>
      %dma_start3A_19 = arith.constant 0 : i32
      %dma_start3A_20 = tpu.memref_slice %arg2[%mul3A_6, %dma_start3A_19] : memref<2560x128xi32, #tpu.memory_space<hbm>> -> memref<80x128xi32, #tpu.memory_space<hbm>>
      tpu.enqueue_dma source(%dma_start3A_20 : memref<80x128xi32, #tpu.memory_space<hbm>>) target(%arg6 : memref<80x128xi32, #tpu.memory_space<vmem>>) target_semaphore(%run_scoped3A : memref<!tpu.dma_semaphore, #tpu.memory_space<semaphore_mem>>)
      %dma_wait3A = arith.constant 0 : i32
      %dma_wait3A_21 = tpu.memref_slice %arg2[%mul3A_6, %dma_wait3A] : memref<2560x128xi32, #tpu.memory_space<hbm>> -> memref<80x128xi32, #tpu.memory_space<hbm>>
      %dma_wait3A_22 = arith.constant 0 : i32
      %dma_wait3A_23 = tpu.memref_slice %arg2[%mul3A_6, %dma_wait3A_22] : memref<2560x128xi32, #tpu.memory_space<hbm>> -> memref<80x128xi32, #tpu.memory_space<hbm>>
      tpu.wait_dma2 semaphore(%run_scoped3A : memref<!tpu.dma_semaphore, #tpu.memory_space<semaphore_mem>>) src(%dma_wait3A_23 : memref<80x128xi32, #tpu.memory_space<hbm>>) dst(%arg6 : memref<80x128xi32, #tpu.memory_space<vmem>>)
      tpu.yield
    }) : () -> ()
    %barrier3A = arith.constant 0 : index
    tpu.barrier barrier_id(%barrier3A)
    %scan3A = arith.constant 0 : i32
    %scan3A_7 = arith.constant 0 : i32
    %scan3A_8 = arith.constant 80 : i32
    %scan3A_9 = arith.addi %scan3A_7, %scan3A_8 : i32
    %scan3A_10 = arith.constant 1 : i32
    %scan3A_11 = scf.for %scan3A_18 = %scan3A_7 to %scan3A_9 step %scan3A_10 iter_args(%scan3A_19 = %scan3A) -> (i32)  : i32 {
      "tpu.region"() ({
        %run_scoped3A = tpu.sem_alloc : memref<!tpu.dma_semaphore, #tpu.memory_space<semaphore_mem>>
        %dma_start3A = arith.constant 0 : i32
        %dma_start3A_21 = tpu.memref_slice %arg6[%scan3A_18, %dma_start3A] : memref<80x128xi32, #tpu.memory_space<vmem>> -> memref<1x128xi32, #tpu.memory_space<vmem>>
        %dma_start3A_22 = tpu.memref_squeeze %dma_start3A_21 : memref<1x128xi32, #tpu.memory_space<vmem>> -> memref<128xi32, #tpu.memory_space<vmem>>
        %dma_start3A_23 = arith.constant 0 : i32
        %dma_start3A_24 = tpu.memref_slice %arg8[%dma_start3A_23] : memref<10240xf32, #tpu.memory_space<vmem_shared>> -> memref<10240xf32, #tpu.memory_space<vmem_shared>>
        tpu.enqueue_indirect_dma source(%arg7 : memref<128xf32, #tpu.memory_space<vmem>>) target(%dma_start3A_24 : memref<10240xf32, #tpu.memory_space<vmem_shared>>) offsets(%dma_start3A_22 : memref<128xi32, #tpu.memory_space<vmem>>) semaphore(%run_scoped3A : memref<!tpu.dma_semaphore, #tpu.memory_space<semaphore_mem>>) {add = true}
        %dma_wait3A = arith.constant 0 : i32
        %dma_wait3A_25 = tpu.memref_slice %arg6[%scan3A_18, %dma_wait3A] : memref<80x128xi32, #tpu.memory_space<vmem>> -> memref<1x128xi32, #tpu.memory_space<vmem>>
        %dma_wait3A_26 = tpu.memref_squeeze %dma_wait3A_25 : memref<1x128xi32, #tpu.memory_space<vmem>> -> memref<128xi32, #tpu.memory_space<vmem>>
        %dma_wait3A_27 = arith.constant 0 : i32
        %dma_wait3A_28 = tpu.memref_slice %arg8[%dma_wait3A_27] : memref<10240xf32, #tpu.memory_space<vmem_shared>> -> memref<10240xf32, #tpu.memory_space<vmem_shared>>
        tpu.wait_indirect_dma semaphore(%run_scoped3A : memref<!tpu.dma_semaphore, #tpu.memory_space<semaphore_mem>>) src(%arg7 : memref<128xf32, #tpu.memory_space<vmem>>) dst(%dma_wait3A_28 : memref<10240xf32, #tpu.memory_space<vmem_shared>>)
        tpu.yield
      }) : () -> ()
      %scan3A_20 = arith.constant 0 : i32
      scf.yield %scan3A_20 : i32
    }
    %scan3A_12 = arith.constant 80 : i32
    %barrier3A_13 = arith.constant 0 : index
    tpu.barrier barrier_id(%barrier3A_13)
    %mul3A_14 = arith.constant 640 : i32
    %mul3A_15 = arith.muli %arg1, %mul3A_14 : i32
    %mul3A_16 = arith.constant 640 : i32
    %mul3A_17 = arith.muli %arg1, %mul3A_16 : i32
    "tpu.region"() ({
      %run_scoped3A = tpu.sem_alloc : memref<!tpu.dma_semaphore, #tpu.memory_space<semaphore_mem>>
      %dma_start3A = tpu.memref_slice %arg5[%arg0, %mul3A_17] : memref<2x10240xf32, #tpu.memory_space<hbm>> -> memref<1x640xf32, #tpu.memory_space<hbm>>
      %dma_start3A_18 = tpu.memref_squeeze %dma_start3A : memref<1x640xf32, #tpu.memory_space<hbm>> -> memref<640xf32, #tpu.memory_space<hbm>>
      %dma_start3A_19 = tpu.memref_slice %arg8[%mul3A_15] : memref<10240xf32, #tpu.memory_space<vmem_shared>> -> memref<640xf32, #tpu.memory_space<vmem_shared>>
      tpu.enqueue_dma source(%dma_start3A_19 : memref<640xf32, #tpu.memory_space<vmem_shared>>) target(%dma_start3A_18 : memref<640xf32, #tpu.memory_space<hbm>>) target_semaphore(%run_scoped3A : memref<!tpu.dma_semaphore, #tpu.memory_space<semaphore_mem>>)
      %dma_wait3A = tpu.memref_slice %arg5[%arg0, %mul3A_17] : memref<2x10240xf32, #tpu.memory_space<hbm>> -> memref<1x640xf32, #tpu.memory_space<hbm>>
      %dma_wait3A_20 = tpu.memref_squeeze %dma_wait3A : memref<1x640xf32, #tpu.memory_space<hbm>> -> memref<640xf32, #tpu.memory_space<hbm>>
      %dma_wait3A_21 = tpu.memref_slice %arg8[%mul3A_15] : memref<10240xf32, #tpu.memory_space<vmem_shared>> -> memref<640xf32, #tpu.memory_space<vmem_shared>>
      tpu.wait_dma2 semaphore(%run_scoped3A : memref<!tpu.dma_semaphore, #tpu.memory_space<semaphore_mem>>) src(%dma_wait3A_21 : memref<640xf32, #tpu.memory_space<vmem_shared>>) dst(%dma_wait3A_20 : memref<640xf32, #tpu.memory_space<hbm>>)
      tpu.yield
    }) : () -> ()
    return
  }
}

#map = affine_map<(d0, d1) -> (0, 0)>
#map1 = affine_map<(d0, d1) -> (0, 0, 0)>
module attributes {stable_mosaic.version = 14 : i64} {
  func.func @_sc_aggregate(%arg0: i32, %arg1: i32, %arg2: memref<10000x128xf32, #tpu.memory_space<hbm>>, %arg3: memref<2560x128xi32, #tpu.memory_space<hbm>>, %arg4: memref<2560x128xi32, #tpu.memory_space<hbm>>, %arg5: memref<10240x128xf32, #tpu.memory_space<hbm>>, %arg6: memref<2x10240x128xf32, #tpu.memory_space<hbm>>, %arg7: memref<40x128xi32, #tpu.memory_space<vmem>>, %arg8: memref<40x128xi32, #tpu.memory_space<vmem>>, %arg9: memref<2x128x128xf32, #tpu.memory_space<vmem>>, %arg10: memref<10240x128xf32, #tpu.memory_space<vmem_shared>>, %arg11: memref<2x!tpu.dma_semaphore, #tpu.memory_space<semaphore_mem>>, %arg12: memref<2x!tpu.dma_semaphore, #tpu.memory_space<semaphore_mem>>) attributes {dimension_semantics = [#tpu.dimension_semantics<core_parallel>, #tpu.dimension_semantics<subcore_parallel>], iteration_bounds = array<i64: 2, 16>, scalar_prefetch = 0 : i64, scratch_operands = 6 : i64, tpu.core_type = #tpu.core_type<sc_vector_subcore>, window_params = [{transform_indices = #map}, {transform_indices = #map}, {transform_indices = #map}, {transform_indices = #map}, {transform_indices = #map1}]} {
    %mul3A = arith.constant 640 : i32
    %mul3A_0 = arith.muli %arg1, %mul3A : i32
    %mul3A_1 = arith.constant 640 : i32
    %mul3A_2 = arith.muli %arg1, %mul3A_1 : i32
    "tpu.region"() ({
      %run_scoped3A = tpu.sem_alloc : memref<!tpu.dma_semaphore, #tpu.memory_space<semaphore_mem>>
      %dma_start3A = arith.constant 0 : i32
      %dma_start3A_14 = tpu.memref_slice %arg10[%mul3A_2, %dma_start3A] : memref<10240x128xf32, #tpu.memory_space<vmem_shared>> -> memref<640x128xf32, #tpu.memory_space<vmem_shared>>
      %dma_start3A_15 = arith.constant 0 : i32
      %dma_start3A_16 = tpu.memref_slice %arg5[%mul3A_0, %dma_start3A_15] : memref<10240x128xf32, #tpu.memory_space<hbm>> -> memref<640x128xf32, #tpu.memory_space<hbm>>
      tpu.enqueue_dma source(%dma_start3A_16 : memref<640x128xf32, #tpu.memory_space<hbm>>) target(%dma_start3A_14 : memref<640x128xf32, #tpu.memory_space<vmem_shared>>) target_semaphore(%run_scoped3A : memref<!tpu.dma_semaphore, #tpu.memory_space<semaphore_mem>>)
      %dma_wait3A = arith.constant 0 : i32
      %dma_wait3A_17 = tpu.memref_slice %arg10[%mul3A_2, %dma_wait3A] : memref<10240x128xf32, #tpu.memory_space<vmem_shared>> -> memref<640x128xf32, #tpu.memory_space<vmem_shared>>
      %dma_wait3A_18 = arith.constant 0 : i32
      %dma_wait3A_19 = tpu.memref_slice %arg5[%mul3A_0, %dma_wait3A_18] : memref<10240x128xf32, #tpu.memory_space<hbm>> -> memref<640x128xf32, #tpu.memory_space<hbm>>
      tpu.wait_dma2 semaphore(%run_scoped3A : memref<!tpu.dma_semaphore, #tpu.memory_space<semaphore_mem>>) src(%dma_wait3A_19 : memref<640x128xf32, #tpu.memory_space<hbm>>) dst(%dma_wait3A_17 : memref<640x128xf32, #tpu.memory_space<vmem_shared>>)
      tpu.yield
    }) : () -> ()
    %barrier3A = arith.constant 0 : index
    tpu.barrier barrier_id(%barrier3A)
    %scan3A = arith.constant 0 : i32
    %scan3A_3 = arith.constant 0 : i32
    %scan3A_4 = arith.constant 2 : i32
    %scan3A_5 = arith.addi %scan3A_3, %scan3A_4 : i32
    %scan3A_6 = arith.constant 1 : i32
    %scan3A_7 = scf.for %scan3A_14 = %scan3A_3 to %scan3A_5 step %scan3A_6 iter_args(%scan3A_15 = %scan3A) -> (i32)  : i32 {
      %mul3A_16 = arith.constant 16 : i32
      %mul3A_17 = arith.muli %arg0, %mul3A_16 : i32
      %add3A = arith.addi %mul3A_17, %arg1 : i32
      %mul3A_18 = arith.constant 80 : i32
      %mul3A_19 = arith.muli %add3A, %mul3A_18 : i32
      %mul3A_20 = arith.constant 40 : i32
      %mul3A_21 = arith.muli %scan3A_14, %mul3A_20 : i32
      %add3A_22 = arith.addi %mul3A_19, %mul3A_21 : i32
      "tpu.region"() ({
        %run_scoped3A = tpu.sem_alloc : memref<!tpu.dma_semaphore, #tpu.memory_space<semaphore_mem>>
        %dma_start3A_67 = arith.constant 0 : i32
        %dma_start3A_68 = tpu.memref_slice %arg3[%add3A_22, %dma_start3A_67] : memref<2560x128xi32, #tpu.memory_space<hbm>> -> memref<40x128xi32, #tpu.memory_space<hbm>>
        %dma_start3A_69 = arith.constant 0 : i32
        %dma_start3A_70 = tpu.memref_slice %arg3[%add3A_22, %dma_start3A_69] : memref<2560x128xi32, #tpu.memory_space<hbm>> -> memref<40x128xi32, #tpu.memory_space<hbm>>
        tpu.enqueue_dma source(%dma_start3A_70 : memref<40x128xi32, #tpu.memory_space<hbm>>) target(%arg7 : memref<40x128xi32, #tpu.memory_space<vmem>>) target_semaphore(%run_scoped3A : memref<!tpu.dma_semaphore, #tpu.memory_space<semaphore_mem>>)
        %dma_wait3A_71 = arith.constant 0 : i32
        %dma_wait3A_72 = tpu.memref_slice %arg3[%add3A_22, %dma_wait3A_71] : memref<2560x128xi32, #tpu.memory_space<hbm>> -> memref<40x128xi32, #tpu.memory_space<hbm>>
        %dma_wait3A_73 = arith.constant 0 : i32
        %dma_wait3A_74 = tpu.memref_slice %arg3[%add3A_22, %dma_wait3A_73] : memref<2560x128xi32, #tpu.memory_space<hbm>> -> memref<40x128xi32, #tpu.memory_space<hbm>>
        tpu.wait_dma2 semaphore(%run_scoped3A : memref<!tpu.dma_semaphore, #tpu.memory_space<semaphore_mem>>) src(%dma_wait3A_74 : memref<40x128xi32, #tpu.memory_space<hbm>>) dst(%arg7 : memref<40x128xi32, #tpu.memory_space<vmem>>)
        tpu.yield
      }) : () -> ()
      %mul3A_23 = arith.constant 16 : i32
      %mul3A_24 = arith.muli %arg0, %mul3A_23 : i32
      %add3A_25 = arith.addi %mul3A_24, %arg1 : i32
      %mul3A_26 = arith.constant 80 : i32
      %mul3A_27 = arith.muli %add3A_25, %mul3A_26 : i32
      %mul3A_28 = arith.constant 40 : i32
      %mul3A_29 = arith.muli %scan3A_14, %mul3A_28 : i32
      %add3A_30 = arith.addi %mul3A_27, %mul3A_29 : i32
      "tpu.region"() ({
        %run_scoped3A = tpu.sem_alloc : memref<!tpu.dma_semaphore, #tpu.memory_space<semaphore_mem>>
        %dma_start3A_67 = arith.constant 0 : i32
        %dma_start3A_68 = tpu.memref_slice %arg4[%add3A_30, %dma_start3A_67] : memref<2560x128xi32, #tpu.memory_space<hbm>> -> memref<40x128xi32, #tpu.memory_space<hbm>>
        %dma_start3A_69 = arith.constant 0 : i32
        %dma_start3A_70 = tpu.memref_slice %arg4[%add3A_30, %dma_start3A_69] : memref<2560x128xi32, #tpu.memory_space<hbm>> -> memref<40x128xi32, #tpu.memory_space<hbm>>
        tpu.enqueue_dma source(%dma_start3A_70 : memref<40x128xi32, #tpu.memory_space<hbm>>) target(%arg8 : memref<40x128xi32, #tpu.memory_space<vmem>>) target_semaphore(%run_scoped3A : memref<!tpu.dma_semaphore, #tpu.memory_space<semaphore_mem>>)
        %dma_wait3A_71 = arith.constant 0 : i32
        %dma_wait3A_72 = tpu.memref_slice %arg4[%add3A_30, %dma_wait3A_71] : memref<2560x128xi32, #tpu.memory_space<hbm>> -> memref<40x128xi32, #tpu.memory_space<hbm>>
        %dma_wait3A_73 = arith.constant 0 : i32
        %dma_wait3A_74 = tpu.memref_slice %arg4[%add3A_30, %dma_wait3A_73] : memref<2560x128xi32, #tpu.memory_space<hbm>> -> memref<40x128xi32, #tpu.memory_space<hbm>>
        tpu.wait_dma2 semaphore(%run_scoped3A : memref<!tpu.dma_semaphore, #tpu.memory_space<semaphore_mem>>) src(%dma_wait3A_74 : memref<40x128xi32, #tpu.memory_space<hbm>>) dst(%arg8 : memref<40x128xi32, #tpu.memory_space<vmem>>)
        tpu.yield
      }) : () -> ()
      %dma_start3A = arith.constant 0 : i32
      %dma_start3A_31 = arith.constant 0 : i32
      %dma_start3A_32 = arith.constant 0 : i32
      %dma_start3A_33 = arith.constant 0 : i32
      %dma_start3A_34 = arith.constant 0 : i32
      %dma_start3A_35 = tpu.memref_slice %arg9[%dma_start3A_31, %dma_start3A_33, %dma_start3A_34] : memref<2x128x128xf32, #tpu.memory_space<vmem>> -> memref<1x128x128xf32, #tpu.memory_space<vmem>>
      %dma_start3A_36 = tpu.memref_squeeze %dma_start3A_35 : memref<1x128x128xf32, #tpu.memory_space<vmem>> -> memref<128x128xf32, #tpu.memory_space<vmem>>
      %dma_start3A_37 = arith.constant 0 : i32
      %dma_start3A_38 = tpu.memref_slice %arg7[%dma_start3A, %dma_start3A_37] : memref<40x128xi32, #tpu.memory_space<vmem>> -> memref<1x128xi32, #tpu.memory_space<vmem>>
      %dma_start3A_39 = tpu.memref_squeeze %dma_start3A_38 : memref<1x128xi32, #tpu.memory_space<vmem>> -> memref<128xi32, #tpu.memory_space<vmem>>
      %dma_start3A_40 = arith.constant 0 : i32
      %dma_start3A_41 = arith.constant 0 : i32
      %dma_start3A_42 = tpu.memref_slice %arg2[%dma_start3A_40, %dma_start3A_41] : memref<10000x128xf32, #tpu.memory_space<hbm>> -> memref<10000x128xf32, #tpu.memory_space<hbm>>
      %dma_start3A_43 = tpu.memref_slice %arg11[%dma_start3A_32] : memref<2x!tpu.dma_semaphore, #tpu.memory_space<semaphore_mem>> -> memref<1x!tpu.dma_semaphore, #tpu.memory_space<semaphore_mem>>
      %dma_start3A_44 = tpu.memref_squeeze %dma_start3A_43 : memref<1x!tpu.dma_semaphore, #tpu.memory_space<semaphore_mem>> -> memref<!tpu.dma_semaphore, #tpu.memory_space<semaphore_mem>>
      tpu.enqueue_indirect_dma source(%dma_start3A_42 : memref<10000x128xf32, #tpu.memory_space<hbm>>) target(%dma_start3A_36 : memref<128x128xf32, #tpu.memory_space<vmem>>) offsets(%dma_start3A_39 : memref<128xi32, #tpu.memory_space<vmem>>) semaphore(%dma_start3A_44 : memref<!tpu.dma_semaphore, #tpu.memory_space<semaphore_mem>>)
      %scan3A_45 = arith.constant 0 : i32
      %scan3A_46 = arith.constant 0 : i32
      %scan3A_47 = arith.constant 40 : i32
      %scan3A_48 = arith.addi %scan3A_46, %scan3A_47 : i32
      %scan3A_49 = arith.constant 1 : i32
      %scan3A_50 = scf.for %scan3A_67 = %scan3A_46 to %scan3A_48 step %scan3A_49 iter_args(%scan3A_68 = %scan3A_45) -> (i32)  : i32 {
        %ge3A = arith.constant 1 : i32
        %ge3A_69 = arith.cmpi sge, %scan3A_67, %ge3A : i32
        %convert_element_type3A = arith.extui %ge3A_69 : i1 to i32
        %cond3A = arith.constant 0 : i32
        %cond3A_70 = arith.cmpi ne, %convert_element_type3A, %cond3A : i32
        scf.if %cond3A_70 {
          %sub3A = arith.constant 1 : i32
          %sub3A_128 = arith.subi %scan3A_67, %sub3A : i32
          %jit3A_129 = arith.constant 2 : i32
          %eq3A_130 = arith.constant 0 : i32
          %eq3A_131 = arith.cmpi eq, %jit3A_129, %eq3A_130 : i32
          %jit3A_132 = arith.constant 1 : i32
          %select_n3A_133 = arith.select %eq3A_131, %jit3A_132, %jit3A_129 : i32
          %rem3A_134 = arith.remsi %sub3A_128, %select_n3A_133 : i32
          %ne3A_135 = arith.constant 0 : i32
          %ne3A_136 = arith.cmpi ne, %rem3A_134, %ne3A_135 : i32
          %lt3A_137 = arith.constant 0 : i32
          %lt3A_138 = arith.cmpi slt, %rem3A_134, %lt3A_137 : i32
          %lt3A_139 = arith.constant 0 : i32
          %lt3A_140 = arith.cmpi slt, %select_n3A_133, %lt3A_139 : i32
          %ne3A_141 = arith.xori %lt3A_138, %lt3A_140 : i1
          %and3A_142 = arith.andi %ne3A_141, %ne3A_136 : i1
          %add3A_143 = arith.addi %rem3A_134, %select_n3A_133 : i32
          %select_n3A_144 = arith.select %and3A_142, %add3A_143, %rem3A_134 : i32
          %dma_wait3A_145 = arith.constant 0 : i32
          %dma_wait3A_146 = arith.constant 0 : i32
          %dma_wait3A_147 = tpu.memref_slice %arg9[%select_n3A_144, %dma_wait3A_145, %dma_wait3A_146] : memref<2x128x128xf32, #tpu.memory_space<vmem>> -> memref<1x128x128xf32, #tpu.memory_space<vmem>>
          %dma_wait3A_148 = tpu.memref_squeeze %dma_wait3A_147 : memref<1x128x128xf32, #tpu.memory_space<vmem>> -> memref<128x128xf32, #tpu.memory_space<vmem>>
          %dma_wait3A_149 = arith.constant 0 : i32
          %dma_wait3A_150 = tpu.memref_slice %arg8[%sub3A_128, %dma_wait3A_149] : memref<40x128xi32, #tpu.memory_space<vmem>> -> memref<1x128xi32, #tpu.memory_space<vmem>>
          %dma_wait3A_151 = tpu.memref_squeeze %dma_wait3A_150 : memref<1x128xi32, #tpu.memory_space<vmem>> -> memref<128xi32, #tpu.memory_space<vmem>>
          %dma_wait3A_152 = arith.constant 0 : i32
          %dma_wait3A_153 = arith.constant 0 : i32
          %dma_wait3A_154 = tpu.memref_slice %arg10[%dma_wait3A_152, %dma_wait3A_153] : memref<10240x128xf32, #tpu.memory_space<vmem_shared>> -> memref<10240x128xf32, #tpu.memory_space<vmem_shared>>
          %dma_wait3A_155 = tpu.memref_slice %arg12[%select_n3A_144] : memref<2x!tpu.dma_semaphore, #tpu.memory_space<semaphore_mem>> -> memref<1x!tpu.dma_semaphore, #tpu.memory_space<semaphore_mem>>
          %dma_wait3A_156 = tpu.memref_squeeze %dma_wait3A_155 : memref<1x!tpu.dma_semaphore, #tpu.memory_space<semaphore_mem>> -> memref<!tpu.dma_semaphore, #tpu.memory_space<semaphore_mem>>
          tpu.wait_indirect_dma semaphore(%dma_wait3A_156 : memref<!tpu.dma_semaphore, #tpu.memory_space<semaphore_mem>>) src(%dma_wait3A_148 : memref<128x128xf32, #tpu.memory_space<vmem>>) dst(%dma_wait3A_154 : memref<10240x128xf32, #tpu.memory_space<vmem_shared>>)
        } else {
        }
        %add3A_71 = arith.constant 1 : i32
        %add3A_72 = arith.addi %scan3A_67, %add3A_71 : i32
        %lt3A = arith.constant 40 : i32
        %lt3A_73 = arith.cmpi slt, %add3A_72, %lt3A : i32
        %convert_element_type3A_74 = arith.extui %lt3A_73 : i1 to i32
        %cond3A_75 = arith.constant 0 : i32
        %cond3A_76 = arith.cmpi ne, %convert_element_type3A_74, %cond3A_75 : i32
        scf.if %cond3A_76 {
          %add3A_128 = arith.constant 1 : i32
          %add3A_129 = arith.addi %scan3A_67, %add3A_128 : i32
          %jit3A_130 = arith.constant 2 : i32
          %eq3A_131 = arith.constant 0 : i32
          %eq3A_132 = arith.cmpi eq, %jit3A_130, %eq3A_131 : i32
          %jit3A_133 = arith.constant 1 : i32
          %select_n3A_134 = arith.select %eq3A_132, %jit3A_133, %jit3A_130 : i32
          %rem3A_135 = arith.remsi %add3A_129, %select_n3A_134 : i32
          %ne3A_136 = arith.constant 0 : i32
          %ne3A_137 = arith.cmpi ne, %rem3A_135, %ne3A_136 : i32
          %lt3A_138 = arith.constant 0 : i32
          %lt3A_139 = arith.cmpi slt, %rem3A_135, %lt3A_138 : i32
          %lt3A_140 = arith.constant 0 : i32
          %lt3A_141 = arith.cmpi slt, %select_n3A_134, %lt3A_140 : i32
          %ne3A_142 = arith.xori %lt3A_139, %lt3A_141 : i1
          %and3A_143 = arith.andi %ne3A_142, %ne3A_137 : i1
          %add3A_144 = arith.addi %rem3A_135, %select_n3A_134 : i32
          %select_n3A_145 = arith.select %and3A_143, %add3A_144, %rem3A_135 : i32
          %dma_start3A_146 = arith.constant 0 : i32
          %dma_start3A_147 = arith.constant 0 : i32
          %dma_start3A_148 = tpu.memref_slice %arg9[%select_n3A_145, %dma_start3A_146, %dma_start3A_147] : memref<2x128x128xf32, #tpu.memory_space<vmem>> -> memref<1x128x128xf32, #tpu.memory_space<vmem>>
          %dma_start3A_149 = tpu.memref_squeeze %dma_start3A_148 : memref<1x128x128xf32, #tpu.memory_space<vmem>> -> memref<128x128xf32, #tpu.memory_space<vmem>>
          %dma_start3A_150 = arith.constant 0 : i32
          %dma_start3A_151 = tpu.memref_slice %arg7[%add3A_129, %dma_start3A_150] : memref<40x128xi32, #tpu.memory_space<vmem>> -> memref<1x128xi32, #tpu.memory_space<vmem>>
          %dma_start3A_152 = tpu.memref_squeeze %dma_start3A_151 : memref<1x128xi32, #tpu.memory_space<vmem>> -> memref<128xi32, #tpu.memory_space<vmem>>
          %dma_start3A_153 = arith.constant 0 : i32
          %dma_start3A_154 = arith.constant 0 : i32
          %dma_start3A_155 = tpu.memref_slice %arg2[%dma_start3A_153, %dma_start3A_154] : memref<10000x128xf32, #tpu.memory_space<hbm>> -> memref<10000x128xf32, #tpu.memory_space<hbm>>
          %dma_start3A_156 = tpu.memref_slice %arg11[%select_n3A_145] : memref<2x!tpu.dma_semaphore, #tpu.memory_space<semaphore_mem>> -> memref<1x!tpu.dma_semaphore, #tpu.memory_space<semaphore_mem>>
          %dma_start3A_157 = tpu.memref_squeeze %dma_start3A_156 : memref<1x!tpu.dma_semaphore, #tpu.memory_space<semaphore_mem>> -> memref<!tpu.dma_semaphore, #tpu.memory_space<semaphore_mem>>
          tpu.enqueue_indirect_dma source(%dma_start3A_155 : memref<10000x128xf32, #tpu.memory_space<hbm>>) target(%dma_start3A_149 : memref<128x128xf32, #tpu.memory_space<vmem>>) offsets(%dma_start3A_152 : memref<128xi32, #tpu.memory_space<vmem>>) semaphore(%dma_start3A_157 : memref<!tpu.dma_semaphore, #tpu.memory_space<semaphore_mem>>)
        } else {
        }
        %jit3A = arith.constant 2 : i32
        %eq3A = arith.constant 0 : i32
        %eq3A_77 = arith.cmpi eq, %jit3A, %eq3A : i32
        %jit3A_78 = arith.constant 1 : i32
        %select_n3A = arith.select %eq3A_77, %jit3A_78, %jit3A : i32
        %rem3A = arith.remsi %scan3A_67, %select_n3A : i32
        %ne3A = arith.constant 0 : i32
        %ne3A_79 = arith.cmpi ne, %rem3A, %ne3A : i32
        %lt3A_80 = arith.constant 0 : i32
        %lt3A_81 = arith.cmpi slt, %rem3A, %lt3A_80 : i32
        %lt3A_82 = arith.constant 0 : i32
        %lt3A_83 = arith.cmpi slt, %select_n3A, %lt3A_82 : i32
        %ne3A_84 = arith.xori %lt3A_81, %lt3A_83 : i1
        %and3A = arith.andi %ne3A_84, %ne3A_79 : i1
        %add3A_85 = arith.addi %rem3A, %select_n3A : i32
        %select_n3A_86 = arith.select %and3A, %add3A_85, %rem3A : i32
        %dma_wait3A_87 = arith.constant 0 : i32
        %dma_wait3A_88 = arith.constant 0 : i32
        %dma_wait3A_89 = tpu.memref_slice %arg9[%select_n3A_86, %dma_wait3A_87, %dma_wait3A_88] : memref<2x128x128xf32, #tpu.memory_space<vmem>> -> memref<1x128x128xf32, #tpu.memory_space<vmem>>
        %dma_wait3A_90 = tpu.memref_squeeze %dma_wait3A_89 : memref<1x128x128xf32, #tpu.memory_space<vmem>> -> memref<128x128xf32, #tpu.memory_space<vmem>>
        %dma_wait3A_91 = arith.constant 0 : i32
        %dma_wait3A_92 = tpu.memref_slice %arg7[%scan3A_67, %dma_wait3A_91] : memref<40x128xi32, #tpu.memory_space<vmem>> -> memref<1x128xi32, #tpu.memory_space<vmem>>
        %dma_wait3A_93 = tpu.memref_squeeze %dma_wait3A_92 : memref<1x128xi32, #tpu.memory_space<vmem>> -> memref<128xi32, #tpu.memory_space<vmem>>
        %dma_wait3A_94 = arith.constant 0 : i32
        %dma_wait3A_95 = arith.constant 0 : i32
        %dma_wait3A_96 = tpu.memref_slice %arg2[%dma_wait3A_94, %dma_wait3A_95] : memref<10000x128xf32, #tpu.memory_space<hbm>> -> memref<10000x128xf32, #tpu.memory_space<hbm>>
        %dma_wait3A_97 = tpu.memref_slice %arg11[%select_n3A_86] : memref<2x!tpu.dma_semaphore, #tpu.memory_space<semaphore_mem>> -> memref<1x!tpu.dma_semaphore, #tpu.memory_space<semaphore_mem>>
        %dma_wait3A_98 = tpu.memref_squeeze %dma_wait3A_97 : memref<1x!tpu.dma_semaphore, #tpu.memory_space<semaphore_mem>> -> memref<!tpu.dma_semaphore, #tpu.memory_space<semaphore_mem>>
        tpu.wait_indirect_dma semaphore(%dma_wait3A_98 : memref<!tpu.dma_semaphore, #tpu.memory_space<semaphore_mem>>) src(%dma_wait3A_96 : memref<10000x128xf32, #tpu.memory_space<hbm>>) dst(%dma_wait3A_90 : memref<128x128xf32, #tpu.memory_space<vmem>>)
        %jit3A_99 = arith.constant 2 : i32
        %eq3A_100 = arith.constant 0 : i32
        %eq3A_101 = arith.cmpi eq, %jit3A_99, %eq3A_100 : i32
        %jit3A_102 = arith.constant 1 : i32
        %select_n3A_103 = arith.select %eq3A_101, %jit3A_102, %jit3A_99 : i32
        %rem3A_104 = arith.remsi %scan3A_67, %select_n3A_103 : i32
        %ne3A_105 = arith.constant 0 : i32
        %ne3A_106 = arith.cmpi ne, %rem3A_104, %ne3A_105 : i32
        %lt3A_107 = arith.constant 0 : i32
        %lt3A_108 = arith.cmpi slt, %rem3A_104, %lt3A_107 : i32
        %lt3A_109 = arith.constant 0 : i32
        %lt3A_110 = arith.cmpi slt, %select_n3A_103, %lt3A_109 : i32
        %ne3A_111 = arith.xori %lt3A_108, %lt3A_110 : i1
        %and3A_112 = arith.andi %ne3A_111, %ne3A_106 : i1
        %add3A_113 = arith.addi %rem3A_104, %select_n3A_103 : i32
        %select_n3A_114 = arith.select %and3A_112, %add3A_113, %rem3A_104 : i32
        %dma_start3A_115 = arith.constant 0 : i32
        %dma_start3A_116 = arith.constant 0 : i32
        %dma_start3A_117 = tpu.memref_slice %arg9[%select_n3A_114, %dma_start3A_115, %dma_start3A_116] : memref<2x128x128xf32, #tpu.memory_space<vmem>> -> memref<1x128x128xf32, #tpu.memory_space<vmem>>
        %dma_start3A_118 = tpu.memref_squeeze %dma_start3A_117 : memref<1x128x128xf32, #tpu.memory_space<vmem>> -> memref<128x128xf32, #tpu.memory_space<vmem>>
        %dma_start3A_119 = arith.constant 0 : i32
        %dma_start3A_120 = tpu.memref_slice %arg8[%scan3A_67, %dma_start3A_119] : memref<40x128xi32, #tpu.memory_space<vmem>> -> memref<1x128xi32, #tpu.memory_space<vmem>>
        %dma_start3A_121 = tpu.memref_squeeze %dma_start3A_120 : memref<1x128xi32, #tpu.memory_space<vmem>> -> memref<128xi32, #tpu.memory_space<vmem>>
        %dma_start3A_122 = arith.constant 0 : i32
        %dma_start3A_123 = arith.constant 0 : i32
        %dma_start3A_124 = tpu.memref_slice %arg10[%dma_start3A_122, %dma_start3A_123] : memref<10240x128xf32, #tpu.memory_space<vmem_shared>> -> memref<10240x128xf32, #tpu.memory_space<vmem_shared>>
        %dma_start3A_125 = tpu.memref_slice %arg12[%select_n3A_114] : memref<2x!tpu.dma_semaphore, #tpu.memory_space<semaphore_mem>> -> memref<1x!tpu.dma_semaphore, #tpu.memory_space<semaphore_mem>>
        %dma_start3A_126 = tpu.memref_squeeze %dma_start3A_125 : memref<1x!tpu.dma_semaphore, #tpu.memory_space<semaphore_mem>> -> memref<!tpu.dma_semaphore, #tpu.memory_space<semaphore_mem>>
        tpu.enqueue_indirect_dma source(%dma_start3A_118 : memref<128x128xf32, #tpu.memory_space<vmem>>) target(%dma_start3A_124 : memref<10240x128xf32, #tpu.memory_space<vmem_shared>>) offsets(%dma_start3A_121 : memref<128xi32, #tpu.memory_space<vmem>>) semaphore(%dma_start3A_126 : memref<!tpu.dma_semaphore, #tpu.memory_space<semaphore_mem>>) {add = true}
        %scan3A_127 = arith.constant 0 : i32
        scf.yield %scan3A_127 : i32
      }
      %scan3A_51 = arith.constant 40 : i32
      %dma_wait3A = arith.constant 1 : i32
      %dma_wait3A_52 = arith.constant 39 : i32
      %dma_wait3A_53 = arith.constant 1 : i32
      %dma_wait3A_54 = arith.constant 0 : i32
      %dma_wait3A_55 = arith.constant 0 : i32
      %dma_wait3A_56 = tpu.memref_slice %arg9[%dma_wait3A, %dma_wait3A_54, %dma_wait3A_55] : memref<2x128x128xf32, #tpu.memory_space<vmem>> -> memref<1x128x128xf32, #tpu.memory_space<vmem>>
      %dma_wait3A_57 = tpu.memref_squeeze %dma_wait3A_56 : memref<1x128x128xf32, #tpu.memory_space<vmem>> -> memref<128x128xf32, #tpu.memory_space<vmem>>
      %dma_wait3A_58 = arith.constant 0 : i32
      %dma_wait3A_59 = tpu.memref_slice %arg8[%dma_wait3A_52, %dma_wait3A_58] : memref<40x128xi32, #tpu.memory_space<vmem>> -> memref<1x128xi32, #tpu.memory_space<vmem>>
      %dma_wait3A_60 = tpu.memref_squeeze %dma_wait3A_59 : memref<1x128xi32, #tpu.memory_space<vmem>> -> memref<128xi32, #tpu.memory_space<vmem>>
      %dma_wait3A_61 = arith.constant 0 : i32
      %dma_wait3A_62 = arith.constant 0 : i32
      %dma_wait3A_63 = tpu.memref_slice %arg10[%dma_wait3A_61, %dma_wait3A_62] : memref<10240x128xf32, #tpu.memory_space<vmem_shared>> -> memref<10240x128xf32, #tpu.memory_space<vmem_shared>>
      %dma_wait3A_64 = tpu.memref_slice %arg12[%dma_wait3A_53] : memref<2x!tpu.dma_semaphore, #tpu.memory_space<semaphore_mem>> -> memref<1x!tpu.dma_semaphore, #tpu.memory_space<semaphore_mem>>
      %dma_wait3A_65 = tpu.memref_squeeze %dma_wait3A_64 : memref<1x!tpu.dma_semaphore, #tpu.memory_space<semaphore_mem>> -> memref<!tpu.dma_semaphore, #tpu.memory_space<semaphore_mem>>
      tpu.wait_indirect_dma semaphore(%dma_wait3A_65 : memref<!tpu.dma_semaphore, #tpu.memory_space<semaphore_mem>>) src(%dma_wait3A_57 : memref<128x128xf32, #tpu.memory_space<vmem>>) dst(%dma_wait3A_63 : memref<10240x128xf32, #tpu.memory_space<vmem_shared>>)
      %scan3A_66 = arith.constant 0 : i32
      scf.yield %scan3A_66 : i32
    }
    %scan3A_8 = arith.constant 2 : i32
    %barrier3A_9 = arith.constant 0 : index
    tpu.barrier barrier_id(%barrier3A_9)
    %mul3A_10 = arith.constant 640 : i32
    %mul3A_11 = arith.muli %arg1, %mul3A_10 : i32
    %mul3A_12 = arith.constant 640 : i32
    %mul3A_13 = arith.muli %arg1, %mul3A_12 : i32
    "tpu.region"() ({
      %run_scoped3A = tpu.sem_alloc : memref<!tpu.dma_semaphore, #tpu.memory_space<semaphore_mem>>
      %dma_start3A = arith.constant 0 : i32
      %dma_start3A_14 = tpu.memref_slice %arg6[%arg0, %mul3A_13, %dma_start3A] : memref<2x10240x128xf32, #tpu.memory_space<hbm>> -> memref<1x640x128xf32, #tpu.memory_space<hbm>>
      %dma_start3A_15 = tpu.memref_squeeze %dma_start3A_14 : memref<1x640x128xf32, #tpu.memory_space<hbm>> -> memref<640x128xf32, #tpu.memory_space<hbm>>
      %dma_start3A_16 = arith.constant 0 : i32
      %dma_start3A_17 = tpu.memref_slice %arg10[%mul3A_11, %dma_start3A_16] : memref<10240x128xf32, #tpu.memory_space<vmem_shared>> -> memref<640x128xf32, #tpu.memory_space<vmem_shared>>
      tpu.enqueue_dma source(%dma_start3A_17 : memref<640x128xf32, #tpu.memory_space<vmem_shared>>) target(%dma_start3A_15 : memref<640x128xf32, #tpu.memory_space<hbm>>) target_semaphore(%run_scoped3A : memref<!tpu.dma_semaphore, #tpu.memory_space<semaphore_mem>>)
      %dma_wait3A = arith.constant 0 : i32
      %dma_wait3A_18 = tpu.memref_slice %arg6[%arg0, %mul3A_13, %dma_wait3A] : memref<2x10240x128xf32, #tpu.memory_space<hbm>> -> memref<1x640x128xf32, #tpu.memory_space<hbm>>
      %dma_wait3A_19 = tpu.memref_squeeze %dma_wait3A_18 : memref<1x640x128xf32, #tpu.memory_space<hbm>> -> memref<640x128xf32, #tpu.memory_space<hbm>>
      %dma_wait3A_20 = arith.constant 0 : i32
      %dma_wait3A_21 = tpu.memref_slice %arg10[%mul3A_11, %dma_wait3A_20] : memref<10240x128xf32, #tpu.memory_space<vmem_shared>> -> memref<640x128xf32, #tpu.memory_space<vmem_shared>>
      tpu.wait_dma2 semaphore(%run_scoped3A : memref<!tpu.dma_semaphore, #tpu.memory_space<semaphore_mem>>) src(%dma_wait3A_21 : memref<640x128xf32, #tpu.memory_space<vmem_shared>>) dst(%dma_wait3A_19 : memref<640x128xf32, #tpu.memory_space<hbm>>)
      tpu.yield
    }) : () -> ()
    return
  }
}

module attributes {stable_mosaic.version = 14 : i64} {
  func.func @_tc_encode_body(%arg0: i32, %arg1: memref<1024x128xf32, #tpu.memory_space<vmem>>, %arg2: memref<1024x128xf32, #tpu.memory_space<vmem>>, %arg3: memref<128x128xf32, #tpu.memory_space<vmem>>, %arg4: memref<1x128xf32, #tpu.memory_space<vmem>>, %arg5: memref<128x128xf32, #tpu.memory_space<vmem>>, %arg6: memref<1x128xf32, #tpu.memory_space<vmem>>, %arg7: memref<2x1024xf32, #tpu.memory_space<vmem>>, %arg8: memref<128x128xf32, #tpu.memory_space<vmem>>, %arg9: memref<128x128xf32, #tpu.memory_space<vmem>>, %arg10: memref<128x40xf32, #tpu.memory_space<vmem>>, %arg11: memref<1x40xf32, #tpu.memory_space<vmem>>, %arg12: memref<128x40xf32, #tpu.memory_space<vmem>>, %arg13: memref<1x40xf32, #tpu.memory_space<vmem>>, %arg14: memref<1024x128xf32, #tpu.memory_space<vmem>>, %arg15: memref<1024x40xf32, #tpu.memory_space<vmem>>, %arg16: memref<1024x40xf32, #tpu.memory_space<vmem>>) attributes {dimension_semantics = [#tpu.dimension_semantics<arbitrary>], iteration_bounds = array<i64: 10>, scalar_prefetch = 0 : i64, scratch_operands = 0 : i64, tpu.core_type = #tpu.core_type<tc>, window_params = [{transform_indices = @transform_0, window_bounds = array<i64: 1024, 128>}, {transform_indices = @transform_1, window_bounds = array<i64: 1024, 128>}, {pipeline_mode = #tpu.pipeline_mode<synchronous>, transform_indices = @transform_2, window_bounds = array<i64: 128, 128>}, {pipeline_mode = #tpu.pipeline_mode<synchronous>, transform_indices = @transform_3, window_bounds = array<i64: 1, 128>}, {pipeline_mode = #tpu.pipeline_mode<synchronous>, transform_indices = @transform_4, window_bounds = array<i64: 128, 128>}, {pipeline_mode = #tpu.pipeline_mode<synchronous>, transform_indices = @transform_5, window_bounds = array<i64: 1, 128>}, {transform_indices = @transform_6, window_bounds = array<i64: 2, 1024>}, {pipeline_mode = #tpu.pipeline_mode<synchronous>, transform_indices = @transform_7, window_bounds = array<i64: 128, 128>}, {pipeline_mode = #tpu.pipeline_mode<synchronous>, transform_indices = @transform_8, window_bounds = array<i64: 128, 128>}, {pipeline_mode = #tpu.pipeline_mode<synchronous>, transform_indices = @transform_9, window_bounds = array<i64: 128, 40>}, {pipeline_mode = #tpu.pipeline_mode<synchronous>, transform_indices = @transform_10, window_bounds = array<i64: 1, 40>}, {pipeline_mode = #tpu.pipeline_mode<synchronous>, transform_indices = @transform_11, window_bounds = array<i64: 128, 40>}, {pipeline_mode = #tpu.pipeline_mode<synchronous>, transform_indices = @transform_12, window_bounds = array<i64: 1, 40>}, {transform_indices = @transform_13, window_bounds = array<i64: 1024, 128>}, {transform_indices = @transform_14, window_bounds = array<i64: 1024, 40>}, {transform_indices = @transform_15, window_bounds = array<i64: 1024, 40>}]} {
    %get3A = arith.constant 0 : index
    %get3A_0 = arith.constant 0 : index
    %get3A_1 = vector.load %arg1[%get3A, %get3A_0] : memref<1024x128xf32, #tpu.memory_space<vmem>>, vector<1024x128xf32>
    %get3A_2 = arith.constant 0 : index
    %get3A_3 = arith.constant 0 : index
    %get3A_4 = vector.load %arg3[%get3A_2, %get3A_3] : memref<128x128xf32, #tpu.memory_space<vmem>>, vector<128x128xf32>
    %dot_general3A = arith.constant dense<0.000000e+00> : vector<1024x128xf32>
    %dot_general3A_5 = tpu.matmul %get3A_1, %get3A_4, %dot_general3A {dimension_numbers = #tpu.dot_dimension_numbers<[1], [0], [0], [1], [0, 0, 1, 1], [], []>, precision = #tpu.contract_precision<fp32>, transpose_lhs_hint = false} : vector<1024x128xf32>, vector<128x128xf32>, vector<1024x128xf32> -> vector<1024x128xf32>
    %get3A_6 = arith.constant 0 : index
    %get3A_7 = arith.constant 0 : index
    %get3A_8 = vector.load %arg4[%get3A_6, %get3A_7] : memref<1x128xf32, #tpu.memory_space<vmem>>, vector<1x128xf32>
    %add3A = vector.broadcast %get3A_8 : vector<1x128xf32> to vector<1024x128xf32>
    %add3A_9 = arith.addf %dot_general3A_5, %add3A : vector<1024x128xf32>
    %max3A = arith.constant 0.000000e+00 : f32
    %max3A_10 = vector.broadcast %max3A : f32 to vector<1024x128xf32>
    %max3A_11 = arith.maximumf %add3A_9, %max3A_10 : vector<1024x128xf32>
    %get3A_12 = arith.constant 0 : index
    %get3A_13 = arith.constant 0 : index
    %get3A_14 = vector.load %arg2[%get3A_12, %get3A_13] : memref<1024x128xf32, #tpu.memory_space<vmem>>, vector<1024x128xf32>
    %get3A_15 = arith.constant 0 : index
    %get3A_16 = arith.constant 0 : index
    %get3A_17 = vector.load %arg5[%get3A_15, %get3A_16] : memref<128x128xf32, #tpu.memory_space<vmem>>, vector<128x128xf32>
    %dot_general3A_18 = arith.constant dense<0.000000e+00> : vector<1024x128xf32>
    %dot_general3A_19 = tpu.matmul %get3A_14, %get3A_17, %dot_general3A_18 {dimension_numbers = #tpu.dot_dimension_numbers<[1], [0], [0], [1], [0, 0, 1, 1], [], []>, precision = #tpu.contract_precision<fp32>, transpose_lhs_hint = false} : vector<1024x128xf32>, vector<128x128xf32>, vector<1024x128xf32> -> vector<1024x128xf32>
    %get3A_20 = arith.constant 0 : index
    %get3A_21 = arith.constant 0 : index
    %get3A_22 = vector.load %arg6[%get3A_20, %get3A_21] : memref<1x128xf32, #tpu.memory_space<vmem>>, vector<1x128xf32>
    %add3A_23 = vector.broadcast %get3A_22 : vector<1x128xf32> to vector<1024x128xf32>
    %add3A_24 = arith.addf %dot_general3A_19, %add3A_23 : vector<1024x128xf32>
    %max3A_25 = arith.constant 0.000000e+00 : f32
    %max3A_26 = vector.broadcast %max3A_25 : f32 to vector<1024x128xf32>
    %max3A_27 = arith.maximumf %add3A_24, %max3A_26 : vector<1024x128xf32>
    %get3A_28 = arith.constant 0 : index
    %get3A_29 = arith.constant 0 : index
    %get3A_30 = vector.load %arg7[%get3A_28, %get3A_29] : memref<2x1024xf32, #tpu.memory_space<vmem>>, vector<2x1024xf32>
    %slice3A = vector.extract_strided_slice %get3A_30 {offsets = [0, 0], sizes = [1, 1024], strides = [1, 1]} : vector<2x1024xf32> to vector<1x1024xf32>
    %squeeze3A = vector.shape_cast %slice3A : vector<1x1024xf32> to vector<1024xf32>
    %slice3A_31 = vector.extract_strided_slice %get3A_30 {offsets = [1, 0], sizes = [1, 1024], strides = [1, 1]} : vector<2x1024xf32> to vector<1x1024xf32>
    %squeeze3A_32 = vector.shape_cast %slice3A_31 : vector<1x1024xf32> to vector<1024xf32>
    %add3A_33 = arith.addf %squeeze3A, %squeeze3A_32 : vector<1024xf32>
    %max3A_34 = arith.constant 1.000000e+00 : f32
    %max3A_35 = vector.broadcast %max3A_34 : f32 to vector<1024xf32>
    %max3A_36 = arith.maximumf %add3A_33, %max3A_35 : vector<1024xf32>
    %rsqrt3A = math.rsqrt %max3A_36 : vector<1024xf32>
    %broadcast_in_dim3A = vector.shape_cast %rsqrt3A : vector<1024xf32> to vector<1024x1xf32>
    %get3A_37 = arith.constant 0 : index
    %get3A_38 = arith.constant 0 : index
    %get3A_39 = vector.load %arg8[%get3A_37, %get3A_38] : memref<128x128xf32, #tpu.memory_space<vmem>>, vector<128x128xf32>
    %dot_general3A_40 = arith.constant dense<0.000000e+00> : vector<1024x128xf32>
    %dot_general3A_41 = tpu.matmul %max3A_11, %get3A_39, %dot_general3A_40 {dimension_numbers = #tpu.dot_dimension_numbers<[1], [0], [0], [1], [0, 0, 1, 1], [], []>, precision = #tpu.contract_precision<fp32>, transpose_lhs_hint = false} : vector<1024x128xf32>, vector<128x128xf32>, vector<1024x128xf32> -> vector<1024x128xf32>
    %get3A_42 = arith.constant 0 : index
    %get3A_43 = arith.constant 0 : index
    %get3A_44 = vector.load %arg9[%get3A_42, %get3A_43] : memref<128x128xf32, #tpu.memory_space<vmem>>, vector<128x128xf32>
    %dot_general3A_45 = arith.constant dense<0.000000e+00> : vector<1024x128xf32>
    %dot_general3A_46 = tpu.matmul %max3A_27, %get3A_44, %dot_general3A_45 {dimension_numbers = #tpu.dot_dimension_numbers<[1], [0], [0], [1], [0, 0, 1, 1], [], []>, precision = #tpu.contract_precision<fp32>, transpose_lhs_hint = false} : vector<1024x128xf32>, vector<128x128xf32>, vector<1024x128xf32> -> vector<1024x128xf32>
    %add3A_47 = arith.addf %dot_general3A_41, %dot_general3A_46 : vector<1024x128xf32>
    %mul3A = vector.broadcast %broadcast_in_dim3A : vector<1024x1xf32> to vector<1024x128xf32>
    %mul3A_48 = arith.mulf %add3A_47, %mul3A : vector<1024x128xf32>
    %swap3A = arith.constant 0 : index
    %swap3A_49 = arith.constant 0 : index
    %swap3A_50 = vector.load %arg14[%swap3A, %swap3A_49] : memref<1024x128xf32, #tpu.memory_space<vmem>>, vector<1024x128xf32>
    tpu.vector_store %arg14[%swap3A, %swap3A_49], %mul3A_48 {strides = array<i32>} : memref<1024x128xf32, #tpu.memory_space<vmem>>, vector<1024x128xf32>,
    %get3A_51 = arith.constant 0 : index
    %get3A_52 = arith.constant 0 : index
    %get3A_53 = vector.load %arg10[%get3A_51, %get3A_52] : memref<128x40xf32, #tpu.memory_space<vmem>>, vector<128x40xf32>
    %dot_general3A_54 = arith.constant dense<0.000000e+00> : vector<1024x40xf32>
    %dot_general3A_55 = tpu.matmul %max3A_11, %get3A_53, %dot_general3A_54 {dimension_numbers = #tpu.dot_dimension_numbers<[1], [0], [0], [1], [0, 0, 1, 1], [], []>, precision = #tpu.contract_precision<fp32>, transpose_lhs_hint = false} : vector<1024x128xf32>, vector<128x40xf32>, vector<1024x40xf32> -> vector<1024x40xf32>
    %get3A_56 = arith.constant 0 : index
    %get3A_57 = arith.constant 0 : index
    %get3A_58 = vector.load %arg11[%get3A_56, %get3A_57] : memref<1x40xf32, #tpu.memory_space<vmem>>, vector<1x40xf32>
    %add3A_59 = vector.broadcast %get3A_58 : vector<1x40xf32> to vector<1024x40xf32>
    %add3A_60 = arith.addf %dot_general3A_55, %add3A_59 : vector<1024x40xf32>
    %swap3A_61 = arith.constant 0 : index
    %swap3A_62 = arith.constant 0 : index
    %swap3A_63 = vector.load %arg15[%swap3A_61, %swap3A_62] : memref<1024x40xf32, #tpu.memory_space<vmem>>, vector<1024x40xf32>
    tpu.vector_store %arg15[%swap3A_61, %swap3A_62], %add3A_60 {strides = array<i32>} : memref<1024x40xf32, #tpu.memory_space<vmem>>, vector<1024x40xf32>,
    %get3A_64 = arith.constant 0 : index
    %get3A_65 = arith.constant 0 : index
    %get3A_66 = vector.load %arg12[%get3A_64, %get3A_65] : memref<128x40xf32, #tpu.memory_space<vmem>>, vector<128x40xf32>
    %dot_general3A_67 = arith.constant dense<0.000000e+00> : vector<1024x40xf32>
    %dot_general3A_68 = tpu.matmul %max3A_27, %get3A_66, %dot_general3A_67 {dimension_numbers = #tpu.dot_dimension_numbers<[1], [0], [0], [1], [0, 0, 1, 1], [], []>, precision = #tpu.contract_precision<fp32>, transpose_lhs_hint = false} : vector<1024x128xf32>, vector<128x40xf32>, vector<1024x40xf32> -> vector<1024x40xf32>
    %get3A_69 = arith.constant 0 : index
    %get3A_70 = arith.constant 0 : index
    %get3A_71 = vector.load %arg13[%get3A_69, %get3A_70] : memref<1x40xf32, #tpu.memory_space<vmem>>, vector<1x40xf32>
    %add3A_72 = vector.broadcast %get3A_71 : vector<1x40xf32> to vector<1024x40xf32>
    %add3A_73 = arith.addf %dot_general3A_68, %add3A_72 : vector<1024x40xf32>
    %swap3A_74 = arith.constant 0 : index
    %swap3A_75 = arith.constant 0 : index
    %swap3A_76 = vector.load %arg16[%swap3A_74, %swap3A_75] : memref<1024x40xf32, #tpu.memory_space<vmem>>, vector<1024x40xf32>
    tpu.vector_store %arg16[%swap3A_74, %swap3A_75], %add3A_73 {strides = array<i32>} : memref<1024x40xf32, #tpu.memory_space<vmem>>, vector<1024x40xf32>,
    return
  }
  func.func @transform_0(%arg0: i32) -> (i32, i32) {
    %c0_i32 = arith.constant 0 : i32
    %c0_i32_0 = arith.constant 0 : i32
    return %arg0, %c0_i32 : i32, i32
  }
  func.func @transform_1(%arg0: i32) -> (i32, i32) {
    %c0_i32 = arith.constant 0 : i32
    %c0_i32_0 = arith.constant 0 : i32
    return %arg0, %c0_i32 : i32, i32
  }
  func.func @transform_2(%arg0: i32) -> (i32, i32) {
    %c0_i32 = arith.constant 0 : i32
    %c0_i32_0 = arith.constant 0 : i32
    %c0_i32_1 = arith.constant 0 : i32
    return %c0_i32, %c0_i32_0 : i32, i32
  }
  func.func @transform_3(%arg0: i32) -> (i32, i32) {
    %c0_i32 = arith.constant 0 : i32
    %c0_i32_0 = arith.constant 0 : i32
    %c0_i32_1 = arith.constant 0 : i32
    return %c0_i32, %c0_i32_0 : i32, i32
  }
  func.func @transform_4(%arg0: i32) -> (i32, i32) {
    %c0_i32 = arith.constant 0 : i32
    %c0_i32_0 = arith.constant 0 : i32
    %c0_i32_1 = arith.constant 0 : i32
    return %c0_i32, %c0_i32_0 : i32, i32
  }
  func.func @transform_5(%arg0: i32) -> (i32, i32) {
    %c0_i32 = arith.constant 0 : i32
    %c0_i32_0 = arith.constant 0 : i32
    %c0_i32_1 = arith.constant 0 : i32
    return %c0_i32, %c0_i32_0 : i32, i32
  }
  func.func @transform_6(%arg0: i32) -> (i32, i32) {
    %c0_i32 = arith.constant 0 : i32
    %c0_i32_0 = arith.constant 0 : i32
    return %c0_i32, %arg0 : i32, i32
  }
  func.func @transform_7(%arg0: i32) -> (i32, i32) {
    %c0_i32 = arith.constant 0 : i32
    %c0_i32_0 = arith.constant 0 : i32
    %c0_i32_1 = arith.constant 0 : i32
    return %c0_i32, %c0_i32_0 : i32, i32
  }
  func.func @transform_8(%arg0: i32) -> (i32, i32) {
    %c0_i32 = arith.constant 0 : i32
    %c0_i32_0 = arith.constant 0 : i32
    %c0_i32_1 = arith.constant 0 : i32
    return %c0_i32, %c0_i32_0 : i32, i32
  }
  func.func @transform_9(%arg0: i32) -> (i32, i32) {
    %c0_i32 = arith.constant 0 : i32
    %c0_i32_0 = arith.constant 0 : i32
    %c0_i32_1 = arith.constant 0 : i32
    return %c0_i32, %c0_i32_0 : i32, i32
  }
  func.func @transform_10(%arg0: i32) -> (i32, i32) {
    %c0_i32 = arith.constant 0 : i32
    %c0_i32_0 = arith.constant 0 : i32
    %c0_i32_1 = arith.constant 0 : i32
    return %c0_i32, %c0_i32_0 : i32, i32
  }
  func.func @transform_11(%arg0: i32) -> (i32, i32) {
    %c0_i32 = arith.constant 0 : i32
    %c0_i32_0 = arith.constant 0 : i32
    %c0_i32_1 = arith.constant 0 : i32
    return %c0_i32, %c0_i32_0 : i32, i32
  }
  func.func @transform_12(%arg0: i32) -> (i32, i32) {
    %c0_i32 = arith.constant 0 : i32
    %c0_i32_0 = arith.constant 0 : i32
    %c0_i32_1 = arith.constant 0 : i32
    return %c0_i32, %c0_i32_0 : i32, i32
  }
  func.func @transform_13(%arg0: i32) -> (i32, i32) {
    %c0_i32 = arith.constant 0 : i32
    %c0_i32_0 = arith.constant 0 : i32
    return %arg0, %c0_i32 : i32, i32
  }
  func.func @transform_14(%arg0: i32) -> (i32, i32) {
    %c0_i32 = arith.constant 0 : i32
    %c0_i32_0 = arith.constant 0 : i32
    return %arg0, %c0_i32 : i32, i32
  }
  func.func @transform_15(%arg0: i32) -> (i32, i32) {
    %c0_i32 = arith.constant 0 : i32
    %c0_i32_0 = arith.constant 0 : i32
    return %arg0, %c0_i32 : i32, i32
  }
}

module attributes {stable_mosaic.version = 14 : i64} {
  func.func @_tc_mid_body(%arg0: i32, %arg1: memref<2x1024x128xf32, #tpu.memory_space<vmem>>, %arg2: memref<2x1024xf32, #tpu.memory_space<vmem>>, %arg3: memref<1x128xf32, #tpu.memory_space<vmem>>, %arg4: memref<128x128xf32, #tpu.memory_space<vmem>>, %arg5: memref<1024x128xf32, #tpu.memory_space<vmem>>) attributes {dimension_semantics = [#tpu.dimension_semantics<arbitrary>], iteration_bounds = array<i64: 10>, scalar_prefetch = 0 : i64, scratch_operands = 0 : i64, tpu.core_type = #tpu.core_type<tc>, window_params = [{transform_indices = @transform_0, window_bounds = array<i64: 2, 1024, 128>}, {transform_indices = @transform_1, window_bounds = array<i64: 2, 1024>}, {pipeline_mode = #tpu.pipeline_mode<synchronous>, transform_indices = @transform_2, window_bounds = array<i64: 1, 128>}, {pipeline_mode = #tpu.pipeline_mode<synchronous>, transform_indices = @transform_3, window_bounds = array<i64: 128, 128>}, {transform_indices = @transform_4, window_bounds = array<i64: 1024, 128>}]} {
    %get3A = arith.constant 0 : index
    %get3A_0 = arith.constant 0 : index
    %get3A_1 = vector.load %arg2[%get3A, %get3A_0] : memref<2x1024xf32, #tpu.memory_space<vmem>>, vector<2x1024xf32>
    %slice3A = vector.extract_strided_slice %get3A_1 {offsets = [0, 0], sizes = [1, 1024], strides = [1, 1]} : vector<2x1024xf32> to vector<1x1024xf32>
    %squeeze3A = vector.shape_cast %slice3A : vector<1x1024xf32> to vector<1024xf32>
    %slice3A_2 = vector.extract_strided_slice %get3A_1 {offsets = [1, 0], sizes = [1, 1024], strides = [1, 1]} : vector<2x1024xf32> to vector<1x1024xf32>
    %squeeze3A_3 = vector.shape_cast %slice3A_2 : vector<1x1024xf32> to vector<1024xf32>
    %add3A = arith.addf %squeeze3A, %squeeze3A_3 : vector<1024xf32>
    %max3A = arith.constant 1.000000e+00 : f32
    %max3A_4 = vector.broadcast %max3A : f32 to vector<1024xf32>
    %max3A_5 = arith.maximumf %add3A, %max3A_4 : vector<1024xf32>
    %rsqrt3A = math.rsqrt %max3A_5 : vector<1024xf32>
    %broadcast_in_dim3A = vector.shape_cast %rsqrt3A : vector<1024xf32> to vector<1024x1xf32>
    %get3A_6 = arith.constant 0 : index
    %get3A_7 = arith.constant 0 : index
    %get3A_8 = arith.constant 0 : index
    %get3A_9 = vector.load %arg1[%get3A_6, %get3A_7, %get3A_8] : memref<2x1024x128xf32, #tpu.memory_space<vmem>>, vector<1x1024x128xf32>
    %get3A_10 = vector.shape_cast %get3A_9 : vector<1x1024x128xf32> to vector<1024x128xf32>
    %get3A_11 = arith.constant 1 : index
    %get3A_12 = arith.constant 0 : index
    %get3A_13 = arith.constant 0 : index
    %get3A_14 = vector.load %arg1[%get3A_11, %get3A_12, %get3A_13] : memref<2x1024x128xf32, #tpu.memory_space<vmem>>, vector<1x1024x128xf32>
    %get3A_15 = vector.shape_cast %get3A_14 : vector<1x1024x128xf32> to vector<1024x128xf32>
    %add3A_16 = arith.addf %get3A_10, %get3A_15 : vector<1024x128xf32>
    %mul3A = vector.broadcast %broadcast_in_dim3A : vector<1024x1xf32> to vector<1024x128xf32>
    %mul3A_17 = arith.mulf %add3A_16, %mul3A : vector<1024x128xf32>
    %get3A_18 = arith.constant 0 : index
    %get3A_19 = arith.constant 0 : index
    %get3A_20 = vector.load %arg3[%get3A_18, %get3A_19] : memref<1x128xf32, #tpu.memory_space<vmem>>, vector<1x128xf32>
    %add3A_21 = vector.broadcast %get3A_20 : vector<1x128xf32> to vector<1024x128xf32>
    %add3A_22 = arith.addf %mul3A_17, %add3A_21 : vector<1024x128xf32>
    %max3A_23 = arith.constant 0.000000e+00 : f32
    %max3A_24 = vector.broadcast %max3A_23 : f32 to vector<1024x128xf32>
    %max3A_25 = arith.maximumf %add3A_22, %max3A_24 : vector<1024x128xf32>
    %mul3A_26 = vector.broadcast %broadcast_in_dim3A : vector<1024x1xf32> to vector<1024x128xf32>
    %mul3A_27 = arith.mulf %max3A_25, %mul3A_26 : vector<1024x128xf32>
    %get3A_28 = arith.constant 0 : index
    %get3A_29 = arith.constant 0 : index
    %get3A_30 = vector.load %arg4[%get3A_28, %get3A_29] : memref<128x128xf32, #tpu.memory_space<vmem>>, vector<128x128xf32>
    %dot_general3A = arith.constant dense<0.000000e+00> : vector<1024x128xf32>
    %dot_general3A_31 = tpu.matmul %mul3A_27, %get3A_30, %dot_general3A {dimension_numbers = #tpu.dot_dimension_numbers<[1], [0], [0], [1], [0, 0, 1, 1], [], []>, precision = #tpu.contract_precision<fp32>, transpose_lhs_hint = false} : vector<1024x128xf32>, vector<128x128xf32>, vector<1024x128xf32> -> vector<1024x128xf32>
    %swap3A = arith.constant 0 : index
    %swap3A_32 = arith.constant 0 : index
    %swap3A_33 = vector.load %arg5[%swap3A, %swap3A_32] : memref<1024x128xf32, #tpu.memory_space<vmem>>, vector<1024x128xf32>
    tpu.vector_store %arg5[%swap3A, %swap3A_32], %dot_general3A_31 {strides = array<i32>} : memref<1024x128xf32, #tpu.memory_space<vmem>>, vector<1024x128xf32>,
    return
  }
  func.func @transform_0(%arg0: i32) -> (i32, i32, i32) {
    %c0_i32 = arith.constant 0 : i32
    %c0_i32_0 = arith.constant 0 : i32
    %c0_i32_1 = arith.constant 0 : i32
    return %c0_i32, %arg0, %c0_i32_0 : i32, i32, i32
  }
  func.func @transform_1(%arg0: i32) -> (i32, i32) {
    %c0_i32 = arith.constant 0 : i32
    %c0_i32_0 = arith.constant 0 : i32
    return %c0_i32, %arg0 : i32, i32
  }
  func.func @transform_2(%arg0: i32) -> (i32, i32) {
    %c0_i32 = arith.constant 0 : i32
    %c0_i32_0 = arith.constant 0 : i32
    %c0_i32_1 = arith.constant 0 : i32
    return %c0_i32, %c0_i32_0 : i32, i32
  }
  func.func @transform_3(%arg0: i32) -> (i32, i32) {
    %c0_i32 = arith.constant 0 : i32
    %c0_i32_0 = arith.constant 0 : i32
    %c0_i32_1 = arith.constant 0 : i32
    return %c0_i32, %c0_i32_0 : i32, i32
  }
  func.func @transform_4(%arg0: i32) -> (i32, i32) {
    %c0_i32 = arith.constant 0 : i32
    %c0_i32_0 = arith.constant 0 : i32
    return %arg0, %c0_i32 : i32, i32
  }
}

module attributes {stable_mosaic.version = 14 : i64} {
  func.func @_tc_final_body(%arg0: i32, %arg1: memref<2x1024x128xf32, #tpu.memory_space<vmem>>, %arg2: memref<2x1024xf32, #tpu.memory_space<vmem>>, %arg3: memref<1x128xf32, #tpu.memory_space<vmem>>, %arg4: memref<128x40xf32, #tpu.memory_space<vmem>>, %arg5: memref<1x40xf32, #tpu.memory_space<vmem>>, %arg6: memref<1024x40xf32, #tpu.memory_space<vmem>>, %arg7: memref<1024x40xf32, #tpu.memory_space<vmem>>, %arg8: memref<1024x40xf32, #tpu.memory_space<vmem>>, %arg9: memref<1024x40xf32, #tpu.memory_space<vmem>>) attributes {dimension_semantics = [#tpu.dimension_semantics<arbitrary>], iteration_bounds = array<i64: 10>, scalar_prefetch = 0 : i64, scratch_operands = 0 : i64, tpu.core_type = #tpu.core_type<tc>, window_params = [{transform_indices = @transform_0, window_bounds = array<i64: 2, 1024, 128>}, {transform_indices = @transform_1, window_bounds = array<i64: 2, 1024>}, {pipeline_mode = #tpu.pipeline_mode<synchronous>, transform_indices = @transform_2, window_bounds = array<i64: 1, 128>}, {pipeline_mode = #tpu.pipeline_mode<synchronous>, transform_indices = @transform_3, window_bounds = array<i64: 128, 40>}, {pipeline_mode = #tpu.pipeline_mode<synchronous>, transform_indices = @transform_4, window_bounds = array<i64: 1, 40>}, {transform_indices = @transform_5, window_bounds = array<i64: 1024, 40>}, {transform_indices = @transform_6, window_bounds = array<i64: 1024, 40>}, {transform_indices = @transform_7, window_bounds = array<i64: 1024, 40>}, {transform_indices = @transform_8, window_bounds = array<i64: 1024, 40>}]} {
    %get3A = arith.constant 0 : index
    %get3A_0 = arith.constant 0 : index
    %get3A_1 = vector.load %arg2[%get3A, %get3A_0] : memref<2x1024xf32, #tpu.memory_space<vmem>>, vector<2x1024xf32>
    %slice3A = vector.extract_strided_slice %get3A_1 {offsets = [0, 0], sizes = [1, 1024], strides = [1, 1]} : vector<2x1024xf32> to vector<1x1024xf32>
    %squeeze3A = vector.shape_cast %slice3A : vector<1x1024xf32> to vector<1024xf32>
    %slice3A_2 = vector.extract_strided_slice %get3A_1 {offsets = [1, 0], sizes = [1, 1024], strides = [1, 1]} : vector<2x1024xf32> to vector<1x1024xf32>
    %squeeze3A_3 = vector.shape_cast %slice3A_2 : vector<1x1024xf32> to vector<1024xf32>
    %add3A = arith.addf %squeeze3A, %squeeze3A_3 : vector<1024xf32>
    %max3A = arith.constant 1.000000e+00 : f32
    %max3A_4 = vector.broadcast %max3A : f32 to vector<1024xf32>
    %max3A_5 = arith.maximumf %add3A, %max3A_4 : vector<1024xf32>
    %rsqrt3A = math.rsqrt %max3A_5 : vector<1024xf32>
    %broadcast_in_dim3A = vector.shape_cast %rsqrt3A : vector<1024xf32> to vector<1024x1xf32>
    %get3A_6 = arith.constant 0 : index
    %get3A_7 = arith.constant 0 : index
    %get3A_8 = arith.constant 0 : index
    %get3A_9 = vector.load %arg1[%get3A_6, %get3A_7, %get3A_8] : memref<2x1024x128xf32, #tpu.memory_space<vmem>>, vector<1x1024x128xf32>
    %get3A_10 = vector.shape_cast %get3A_9 : vector<1x1024x128xf32> to vector<1024x128xf32>
    %get3A_11 = arith.constant 1 : index
    %get3A_12 = arith.constant 0 : index
    %get3A_13 = arith.constant 0 : index
    %get3A_14 = vector.load %arg1[%get3A_11, %get3A_12, %get3A_13] : memref<2x1024x128xf32, #tpu.memory_space<vmem>>, vector<1x1024x128xf32>
    %get3A_15 = vector.shape_cast %get3A_14 : vector<1x1024x128xf32> to vector<1024x128xf32>
    %add3A_16 = arith.addf %get3A_10, %get3A_15 : vector<1024x128xf32>
    %mul3A = vector.broadcast %broadcast_in_dim3A : vector<1024x1xf32> to vector<1024x128xf32>
    %mul3A_17 = arith.mulf %add3A_16, %mul3A : vector<1024x128xf32>
    %get3A_18 = arith.constant 0 : index
    %get3A_19 = arith.constant 0 : index
    %get3A_20 = vector.load %arg3[%get3A_18, %get3A_19] : memref<1x128xf32, #tpu.memory_space<vmem>>, vector<1x128xf32>
    %add3A_21 = vector.broadcast %get3A_20 : vector<1x128xf32> to vector<1024x128xf32>
    %add3A_22 = arith.addf %mul3A_17, %add3A_21 : vector<1024x128xf32>
    %max3A_23 = arith.constant 0.000000e+00 : f32
    %max3A_24 = vector.broadcast %max3A_23 : f32 to vector<1024x128xf32>
    %max3A_25 = arith.maximumf %add3A_22, %max3A_24 : vector<1024x128xf32>
    %get3A_26 = arith.constant 0 : index
    %get3A_27 = arith.constant 0 : index
    %get3A_28 = vector.load %arg4[%get3A_26, %get3A_27] : memref<128x40xf32, #tpu.memory_space<vmem>>, vector<128x40xf32>
    %dot_general3A = arith.constant dense<0.000000e+00> : vector<1024x40xf32>
    %dot_general3A_29 = tpu.matmul %max3A_25, %get3A_28, %dot_general3A {dimension_numbers = #tpu.dot_dimension_numbers<[1], [0], [0], [1], [0, 0, 1, 1], [], []>, precision = #tpu.contract_precision<fp32>, transpose_lhs_hint = false} : vector<1024x128xf32>, vector<128x40xf32>, vector<1024x40xf32> -> vector<1024x40xf32>
    %get3A_30 = arith.constant 0 : index
    %get3A_31 = arith.constant 0 : index
    %get3A_32 = vector.load %arg5[%get3A_30, %get3A_31] : memref<1x40xf32, #tpu.memory_space<vmem>>, vector<1x40xf32>
    %add3A_33 = vector.broadcast %get3A_32 : vector<1x40xf32> to vector<1024x40xf32>
    %add3A_34 = arith.addf %dot_general3A_29, %add3A_33 : vector<1024x40xf32>
    %swap3A = arith.constant 0 : index
    %swap3A_35 = arith.constant 0 : index
    %swap3A_36 = vector.load %arg9[%swap3A, %swap3A_35] : memref<1024x40xf32, #tpu.memory_space<vmem>>, vector<1024x40xf32>
    tpu.vector_store %arg9[%swap3A, %swap3A_35], %add3A_34 {strides = array<i32>} : memref<1024x40xf32, #tpu.memory_space<vmem>>, vector<1024x40xf32>,
    %get3A_37 = arith.constant 0 : index
    %get3A_38 = arith.constant 0 : index
    %get3A_39 = vector.load %arg6[%get3A_37, %get3A_38] : memref<1024x40xf32, #tpu.memory_space<vmem>>, vector<1024x40xf32>
    %add3A_40 = arith.addf %add3A_34, %get3A_39 : vector<1024x40xf32>
    %get3A_41 = arith.constant 0 : index
    %get3A_42 = arith.constant 0 : index
    %get3A_43 = vector.load %arg7[%get3A_41, %get3A_42] : memref<1024x40xf32, #tpu.memory_space<vmem>>, vector<1024x40xf32>
    %add3A_44 = arith.addf %add3A_40, %get3A_43 : vector<1024x40xf32>
    %div3A = arith.constant 3.000000e+00 : f32
    %div3A_45 = vector.broadcast %div3A : f32 to vector<1024x40xf32>
    %div3A_46 = arith.divf %add3A_44, %div3A_45 : vector<1024x40xf32>
    %swap3A_47 = arith.constant 0 : index
    %swap3A_48 = arith.constant 0 : index
    %swap3A_49 = vector.load %arg8[%swap3A_47, %swap3A_48] : memref<1024x40xf32, #tpu.memory_space<vmem>>, vector<1024x40xf32>
    tpu.vector_store %arg8[%swap3A_47, %swap3A_48], %div3A_46 {strides = array<i32>} : memref<1024x40xf32, #tpu.memory_space<vmem>>, vector<1024x40xf32>,
    return
  }
  func.func @transform_0(%arg0: i32) -> (i32, i32, i32) {
    %c0_i32 = arith.constant 0 : i32
    %c0_i32_0 = arith.constant 0 : i32
    %c0_i32_1 = arith.constant 0 : i32
    return %c0_i32, %arg0, %c0_i32_0 : i32, i32, i32
  }
  func.func @transform_1(%arg0: i32) -> (i32, i32) {
    %c0_i32 = arith.constant 0 : i32
    %c0_i32_0 = arith.constant 0 : i32
    return %c0_i32, %arg0 : i32, i32
  }
  func.func @transform_2(%arg0: i32) -> (i32, i32) {
    %c0_i32 = arith.constant 0 : i32
    %c0_i32_0 = arith.constant 0 : i32
    %c0_i32_1 = arith.constant 0 : i32
    return %c0_i32, %c0_i32_0 : i32, i32
  }
  func.func @transform_3(%arg0: i32) -> (i32, i32) {
    %c0_i32 = arith.constant 0 : i32
    %c0_i32_0 = arith.constant 0 : i32
    %c0_i32_1 = arith.constant 0 : i32
    return %c0_i32, %c0_i32_0 : i32, i32
  }
  func.func @transform_4(%arg0: i32) -> (i32, i32) {
    %c0_i32 = arith.constant 0 : i32
    %c0_i32_0 = arith.constant 0 : i32
    %c0_i32_1 = arith.constant 0 : i32
    return %c0_i32, %c0_i32_0 : i32, i32
  }
  func.func @transform_5(%arg0: i32) -> (i32, i32) {
    %c0_i32 = arith.constant 0 : i32
    %c0_i32_0 = arith.constant 0 : i32
    return %arg0, %c0_i32 : i32, i32
  }
  func.func @transform_6(%arg0: i32) -> (i32, i32) {
    %c0_i32 = arith.constant 0 : i32
    %c0_i32_0 = arith.constant 0 : i32
    return %arg0, %c0_i32 : i32, i32
  }
  func.func @transform_7(%arg0: i32) -> (i32, i32) {
    %c0_i32 = arith.constant 0 : i32
    %c0_i32_0 = arith.constant 0 : i32
    return %arg0, %c0_i32 : i32, i32
  }
  func.func @transform_8(%arg0: i32) -> (i32, i32) {
    %c0_i32 = arith.constant 0 : i32
    %c0_i32_0 = arith.constant 0 : i32
    return %arg0, %c0_i32 : i32, i32
  }
}

</mosaic_0001>

<sc_bundles>
// kernel: kernel.11.cloned.1.call-start
scs
__scs_entry_jumppad:
0x0: {  	(pc) =	sbr.rel $0x88, $3  }
0x1: {  	(tag) =	ssettag $0x0;
	lr =	simm.s32 $0x1  }
0x2: {  	[smem:$0x3F90] =	sst lr;
	_ =	strace $0xD0000000  }
0x3: {  	_ = 	snop  }
0x4: {  	_ = 	snop  }
0x5: {  	_ = 	snop  }
0x6: {  	_ = 	snop  }
0x7: {  	_ = 	snop  }
__scs_overlays_trampoline_lowered:
0x8: {  	[smem:$0x3F9F] =	sst s0  }
0x9: {  	[smem:$0x3FA0] =	sst s1  }
0xa: {  	[smem:$0x3FA1] =	sst s2  }
0xb: {  	[smem:$0x3FA2] =	sst s3  }
0xc: {  	[smem:$0x3FA3] =	sst s4  }
0xd: {  	[smem:$0x3FA4] =	sst s5  }
0xe: {  	[smem:$0x3FA5] =	sst s6  }
0xf: {  	[smem:$0x3FA6] =	sst s7  }
0x10: {  	[smem:$0x3FA7] =	sst s8  }
0x11: {  	[smem:$0x3FA8] =	sst s9;
	s0 =	simm.s32 @!p0 $0x0  }
0x12: {  	s1 =	sld [smem:$0x3F8E];
	s0 =	simm.s32 @p0 $0x1  }
0x13: {  	[smem:$0x3FA9] =	sst s0;
	s0 =	simm.s32 @!p1 $0x0  }
0x14: {  	s2 =	sld [smem:$0x3F8D];
	s0 =	simm.s32 @p1 $0x1  }
0x15: {  	[smem:$0x3FAA] =	sst s0;
	s0 =	simm.s32 @!p2 $0x0  }
0x16: {  	s3 =	sld [smem:$0x3FDB];
	s0 =	simm.s32 @p2 $0x1  }
0x17: {  	s4 =	simm.s32 $0x1BF5;
	[smem:$0x3FAC] =	sst s0  }
0x18: {  	s0 =	sld [smem:$0x3F8F];
	_ =	swait.ge [sflag:s4], $0x0  }
0x19: {  	s7 =	sld [smem:$0x3F90]  }
0x1a: {  	s8 =	sadd.s32 $0xFFFFE003, lr  }
0x1b: {  	s9 =	sadd.s32 $0xFFFFFEF7, lr;
	s5 =	simm.s32 $0xFFFFFFFF;
	p2 =	slt.u32 s8, $0xFFFFF086  }
0x1c: {  	p1 =	slt.u32 s9, $0xF7A;
	s5 =	simm.s32 @!p2 $0x0  }
0x1d: {  	s5 =	simm.s32 @p1 $0x1;
	p0 =	seq.s32 s7, s2  }
0x1e: {  	s7 =	smul.u32 @!p0 $0xF7A, s2;
	p2 =	seq.s32 @!p0 s5, $0x0  }
0x1f: {  	s9 =	smul.u32 $0xF7A, s1;
	s8 =	simm.s32 @!p0 $0x1BF5;
	p2 =	por !p2, p0  }
0x20: {  	[sflag:s8] =	ssyncset.s32 @!p0 $0xFFFFF086;
	s6 =	sadd.s32 @!p0 s3, s7;
	s7 =	simm.s32 @!p0 $0x108  }
0x21: {  	s3 =	sadd.s32 s3, s9;
	s6 =	sadd.s32 @!p0 $0x88, s6;
	s7 =	simm.s32 @p2 $0x1082  }
0x22: {  	[simem:s7], [sflag:s8] =	dma.local @!p0 [hbm:s6], $0xF7A  }
0x23: {  	s9 =	sor.u32 $0xD0000000, s2;
	s6 =	simm.s32 $0x108;
	_ =	swait.ge @!p0 [sflag:s8], $0x0  }
0x24: {  	s3 =	sadd.s32 $0x88, s3;
	s6 =	simm.s32 @!p1 $0x1082;
	[sflag:s4] =	ssyncset.s32 $0xFFFFF086  }
0x25: {  	[simem:s6], [sflag:s4] =	dma.local [hbm:s3], $0xF7A  }
0x26: {  	[smem:$0x3F90] =	sst s1;
	(tag) =	ssettag s2;
	_ =	strace s9  }
0x27: {  	s1 =	sld [smem:$0x3FA0]  }
0x28: {  	s2 =	sld [smem:$0x3FA1]  }
0x29: {  	s4 =	sld [smem:$0x3FA3]  }
0x2a: {  	p0 =	seq.s32 s5, $0x0;
	s5 =	sld [smem:$0x3FA4]  }
0x2b: {  	s6 =	sld [smem:$0x3FA5]  }
0x2c: {  	s7 =	sld [smem:$0x3FA6]  }
0x2d: {  	s3 =	simm.s32 $0x108;
	s8 =	sld [smem:$0x3FA7]  }
0x2e: {  	s3 =	simm.s32 @!p0 $0x1082;
	s9 =	sld [smem:$0x3FA8]  }
0x2f: {  	lr =	sadd.s32 s0, s3;
	s0 =	sld [smem:$0x3F9F]  }
0x30: {  	s3 =	sld [smem:$0x3FA2]  }
0x31: {  	[smem:$0x3FAB] =	sst s10  }
0x32: {  	s10 =	sld [smem:$0x3FA9];
	_ =	sdelay $0x3  }
0x33: {  	p0 =	seq.s32 s10, $0x1;
	s10 =	sld [smem:$0x3FAB];
	_ =	sdelay $0x3  }
0x34: {  	[smem:$0x3FAB] =	sst s10  }
0x35: {  	s10 =	sld [smem:$0x3FAA];
	_ =	sdelay $0x3  }
0x36: {  	p1 =	seq.s32 s10, $0x1;
	s10 =	sld [smem:$0x3FAB];
	_ =	sdelay $0x3  }
0x37: {  	[smem:$0x3FAB] =	sst s10  }
0x38: {  	s10 =	sld [smem:$0x3FAC]  }
0x39: {  	_ = 	snop;
	(pc) =	sbr.ind lr, $3  }
0x3a: {  	_ = 	snop  }
0x3b: {  	_ = 	snop  }
0x3c: {  	p2 =	seq.s32 s10, $0x1;
	s10 =	sld [smem:$0x3FAB]  }
0x3d: {  	_ =	shalt  }
0x3e: {  	_ =	shalt  }
0x3f: {  	_ =	shalt  }
0x40: {  	_ =	shalt  }
0x41: {  	_ =	shalt  }
0x42: {  	_ =	shalt  }
0x43: {  	_ =	shalt  }
0x44: {  	_ =	shalt  }
0x45: {  	_ =	shalt  }
0x46: {  	_ =	shalt  }
0x47: {  	_ =	shalt  }
0x48: {  	_ =	shalt  }
0x49: {  	_ =	shalt  }
0x4a: {  	_ =	shalt  }
0x4b: {  	_ =	shalt  }
0x4c: {  	_ =	shalt  }
0x4d: {  	_ =	shalt  }
0x4e: {  	_ =	shalt  }
0x4f: {  	_ =	shalt  }
0x50: {  	_ =	shalt  }
0x51: {  	_ =	shalt  }
0x52: {  	_ =	shalt  }
0x53: {  	_ =	shalt  }
0x54: {  	_ =	shalt  }
0x55: {  	_ =	shalt  }
0x56: {  	_ =	shalt  }
0x57: {  	_ =	shalt  }
0x58: {  	_ =	shalt  }
0x59: {  	_ =	shalt  }
0x5a: {  	_ =	shalt  }
0x5b: {  	_ =	shalt  }
0x5c: {  	_ =	shalt  }
0x5d: {  	_ =	shalt  }
0x5e: {  	_ =	shalt  }
0x5f: {  	_ =	shalt  }
0x60: {  	_ =	shalt  }
0x61: {  	_ =	shalt  }
0x62: {  	_ =	shalt  }
0x63: {  	_ =	shalt  }
0x64: {  	_ =	shalt  }
0x65: {  	_ =	shalt  }
0x66: {  	_ =	shalt  }
0x67: {  	_ =	shalt  }
0x68: {  	_ =	shalt  }
0x69: {  	_ =	shalt  }
0x6a: {  	_ =	shalt  }
0x6b: {  	_ =	shalt  }
0x6c: {  	_ =	shalt  }
0x6d: {  	_ =	shalt  }
0x6e: {  	_ =	shalt  }
0x6f: {  	_ =	shalt  }
0x70: {  	_ =	shalt  }
0x71: {  	_ =	shalt  }
0x72: {  	_ =	shalt  }
0x73: {  	_ =	shalt  }
0x74: {  	_ =	shalt  }
0x75: {  	_ =	shalt  }
0x76: {  	_ =	shalt  }
0x77: {  	_ =	shalt  }
0x78: {  	_ =	shalt  }
0x79: {  	_ =	shalt  }
0x7a: {  	_ =	shalt  }
0x7b: {  	_ =	shalt  }
0x7c: {  	_ =	shalt  }
0x7d: {  	_ =	shalt  }
0x7e: {  	_ =	shalt  }
0x7f: {  	_ =	shalt  }
0x80: {  	_ =	shalt  }
0x81: {  	_ =	shalt  }
0x82: {  	_ =	shalt  }
0x83: {  	_ =	shalt  }
0x84: {  	_ =	shalt  }
0x85: {  	_ =	shalt  }
0x86: {  	_ =	shalt  }
0x87: {  	_ =	shalt  }
.Lfunc_end0:
.L_simem_size_0:
called_computation.1_lowered:
.L_overlay_start_0:
0x88: {  	s2 =	sld [smem:$0x3FD9]  }
0x89: {  	s3 =	sld [smem:$0x3FFE];
	_ =	sdelay $0x1  }
0x8a: {  	s1 =	srdreg.scid  }
0x8b: {  	s0 =	sand.u32 $0x1, s1  }
0x8c: {  	s14 =	sshll.u32 s0, $0xA;
	s2 =	sadd.s32 s3, s2  }
0x8d: {  	s2 =	sadd.s32 s2, s14  }
0x8e: {  	[smem:$0x3FB7] =	sst s2  }
0x8f: {  	_ = 	snop  }
0x90: {  	s2 =	sld [smem:$0x3FD0];
	_ =	sdelay $0x2  }
0x91: {  	s15 =	simm.s32 $0xA;
	s4 =	simm.s32 $0x10  }
0x92: {  	[smem:s4], [sflag:s15] =	dma.local [hbm:s2], $0x1  }
0x93: {  	_ =	swait.eq [sflag:s15], $0x1  }
0x94: {  	[sflag:s15] =	ssyncset.done $0x0  }
0x95: {  	s16 =	sld [smem:$0x10];
	[sflag:s15] =	ssyncadd.s32 $0xFFFFFFFF  }
0x96: {  	s17 =	sld [smem:$0x11];
	(tm) =	ssettm $0x1  }
0x97: {  	s18 =	sld [smem:$0x3FFB];
	_ =	sdelay $0x3  }
0x98: {  	_ =	strace s18  }
0x99: {  	s4 =	sld [smem:$0x3FFC];
	_ =	sdelay $0x3  }
0x9a: {  	_ =	strace s4  }
0x9b: {  	s4 =	sld [smem:$0x3FFD];
	_ =	sdelay $0x3  }
0x9c: {  	_ =	strace s4  }
0x9d: {  	_ =	strace $0x8FFFFFFF  }
0x9e: {  	s19 =	sld [smem:$0x3FDB];
	_ =	sdelay $0x1  }
0x9f: {  	s5 =	simm.s32 $_scs_section_size  }
0xa0: {  	s6 =	simm.s32 $_size__tile_overlayer_lowered;
	s7 =	simm.s32 $_tile_overlayer_lowered  }
0xa1: {  	s22 =	simm.s32 $0x1BFF;
	s21 =	sshll.u32 s7, $0x1;
	s4 =	sadd.s32 s5, s19  }
0xa2: {  	s8 =	simm.s32 $0x0;
	s20 =	sshll.u32 s6, $0x1;
	s6 =	sadd.s32 s21, s4  }
0xa3: {  	[timem:s8], [sflag:s22] =	dma.local [hbm:s6], s20  }
0xa4: {  	_ =	swait.ge [sflag:s22], s20  }
0xa5: {  	s5 =	ssub.s32 $0x0, s20;
	[sflag:s22] =	ssyncset.done $0x0  }
0xa6: {  	[sflag:s22] =	ssyncadd.s32 s5;
	_ =	sdelay $0x1  }
0xa7: {  	s23 =	simm.s32 $0x1B8B  }
0xa8: {  	_ =	swait.ge [sflag:s23], $0x1  }
0xa9: {  	[sflag:s23] =	ssyncset.done $0x0  }
0xaa: {  	s25 =	simm.s32 $0x1B8E;
	s24 =	sld [smem:$0x3FFE];
	[sflag:s23] =	ssyncadd.s32 $0xFFFFFFFF  }
0xab: {  	s26 =	simm.s32 $execute0_lowered;
	[smem:$0x3FD2] =	sst s25  }
0xac: {  	s6 =	sshll.u32 s26, $0x1;
	_ =	strace $0x80000049;
	[dreg:$0x1] =	wrdreg $0xFFFFFFFF  }
0xad: {  	s28 =	simm.s32 $_size_execute0_lowered;
	s4 =	sadd.s32 s4, s6;
	[dreg:$0x0] =	wrdreg $0x0  }
0xae: {  	s6 =	sshll.u32 s28, $0x1;
	[dreg:$0x2] =	wrdreg s4  }
0xaf: {  	[dreg:$0x3] =	wrdreg s6  }
0xb0: {  	[dreg:$0x4] =	wrdreg $0xC0  }
0xb1: {  	_ =	task [dreg:s8], $0x5FFFF  }
0xb2: {  	[dreg:$0x1] =	wrdreg $0xFFFFFFFF  }
0xb3: {  	[dreg:$0x0] =	wrdreg $0x60  }
0xb4: {  	[dreg:$0x2] =	wrdreg s24  }
0xb5: {  	[dreg:$0x3] =	wrdreg s16  }
0xb6: {  	[dreg:$0x4] =	wrdreg s17  }
0xb7: {  	[dreg:$0x5] =	wrdreg $0xA8000  }
0xb8: {  	[dreg:$0x6] =	wrdreg $0x9  }
0xb9: {  	_ =	task.clear_ibuf [dreg:s8], $0x7FFFF;
	_ =	strace $0x90000049  }
0xba: {  	s29 =	simm.s32 $0x9;
	_ =	strace $0x8000004B  }
0xbb: {  	_ =	swait.ge [sflag:s29], $0x1  }
0xbc: {  	[sflag:s29] =	ssyncadd.s32 $0xFFFFFFFF  }
0xbd: {  	_ =	strace $0x9000004B  }
0xbe: {  	_ =	sfence  }
0xbf: {  	s30 =	sld [smem:$0x0];
	_ =	sdelay $0x2  }
0xc0: {  	s31 =	sshll.u32 s1, $0xD;
	s1 =	sshrl.u32 s1, $0x2  }
0xc1: {  	s3 =	sand.u32 $0x4000, s31;
	s1 =	sadd.s32 s1, s30  }
0xc2: {  	s0 =	sor.u32 s3, s0;
	s1 =	sshll.u32 s1, $0x11  }
0xc3: {  	s0 =	sor.u32 s1, s0  }
0xc4: {  	s0 =	sadd.s32 $0x8F2B, s0  }
0xc5: {  	[sflag:s0] =	ssyncadd.remote.s32 $0x1  }
0xc6: {  	_ =	sfence.sel $0xFFFF  }
0xc7: {  	[dreg:$0x0] =	wrdreg $0xFFFFFFFF;
	(pc) =	sbr.abs _section_cstart, $3  }
0xc8: {  	[dreg:$0x1] =	wrdreg $0xFFFFFFFF  }
0xc9: {  	_ =	task.clear_ibuf [dreg:s8], $0x2FFFF;
	_ =	strace $0x9FFFFFFF  }
0xca: {  	(tm) =	ssettm $0x7FFFFFFF  }
0xcb: {  	_ =	shalt  }
tec
execute0_lowered:
.L_overlay_start_1:
0x0: {  	(tag) =	ssettag $0x1  }
0x1: {  	s5 =	rddreg [dreg:$0x0]  }
0x2: {  	s11 =	rddreg [dreg:$0x1]  }
0x3: {  	s12 =	rddreg [dreg:$0x2];
	s0 =	stileid.u32  }
0x4: {  	s1 =	srdreg.scid;
	s2 =	rddreg [dreg:$0x3];
	s3 =	simm.s32 $0x0  }
0x5: {  	s15 =	simm.s32 $0x1400;
	s16 =	simm.s32 $0x80;
	s17 =	simm.s32 $0x2800  }
0x6: {  	s18 =	simm.s32 $0x4;
	s7 =	sand.u32 $0x1, s1;
	s1 =	rddreg [dreg:$0x4]  }
0x7: {  	s19 =	simm.s32 $0x0;
	s6 =	smul.u32 $0x14000, s0;
	[smem:$0x7FF] =	sst s3  }
0x8: {  	s4 =	sadd.s32 $0x3800, s5;
	s9 =	smul.u32 $0x50000, s0;
	s31 =	sshll.u32 s0, $0x6  }
0x9: {  	s8 =	smul.u32 $0x140000, s7;
	_ =	strace $0x8000004A;
	s30 =	ssub.s32 $0x2, s7  }
0xa: {  	s7 =	sshll.u32 s7, $0x4;
	s10 =	sshrl.u32 s30, $0x1;
	s9 =	sshrl.u32 s9, $0x2  }
0xb: {  	s7 =	sor.u32 s0, s7;
	s8 =	sadd.s32 s6, s8;
	s6 =	sshrl.u32 s6, $0x3  }
0xc: {  	s10 =	ssub.s32 s30, s10;
	s13 =	sadd.s32 s9, s2;
	s14 =	smul.u32 $0x500, s7  }
.Ltmp0:
0xd: {  	s8 =	sshrl.u32 s8, $0x3;
	s6 =	sadd.s32 s6, s5;
	(pc) =	sbr.rel .LBB2_1-.Ltmp0, $4  }
0xe: {  	s13 =	sshrl.u32 s13, $0x3;
	s8 =	sadd.s32 s8, s5;
	s5 =	sadd.s32 $0x2AA00, s6  }
0xf: {  	s6 =	sor.u32 $0x1C05, s31;
	s9 =	sadd.s32 s11, s14;
	s7 =	sadd.s32 $0x52A00, s8  }
0x10: {  	s8 =	smax.u32 s10, $0x1;
	s10 =	sadd.s32 s12, s14;
	s14 =	sadd.s32 $0x280, s14  }
0x11: {  	s11 =	sadd.s32 s11, s14;
	s12 =	sadd.s32 s12, s14;
	s14 =	simm.s32 $0x5  }
.LBB2_11:
0x12: {  	_ =	swait.ge [sflag:s18], $0x4000  }
0x13: {  	s19 =	sadd.s32 $0x1, s19;
	[sflag:s18] =	ssyncset.done $0x0  }
0x14: {  	p0 =	sne.s32 s19, s8;
	[sflag:s18] =	ssyncadd.s32 $0xFFFFC000  }
.Ltmp1:
0x15: {  	[bflag:$0x0] =	sbarrier.arrive $0xFFFF;
	(pc) =	sbr.rel @!p0 .LBB2_12-.Ltmp1, $4  }
0x16: {  	[hbm:s7], [sflag:s6] =	dma.local [spmem:s13], $0x2800  }
0x17: {  	_ =	swait.ge [sflag:s14], $0x2800  }
0x18: {  	[sflag:s14] =	ssyncset.done $0x0  }
0x19: {  	[sflag:s14] =	ssyncadd.s32 $0xFFFFD800  }
.LBB2_1:
0x1a: {  	[spmem:s13], [sflag:s6] =	dma.local [hbm:s5], $0x2800  }
0x1b: {  	_ =	swait.ge [sflag:s14], $0x2800  }
0x1c: {  	[sflag:s14] =	ssyncset.done $0x0  }
0x1d: {  	[sflag:s14] =	ssyncadd.s32 $0xFFFFD800  }
0x1e: {  	[bflag:$0x0] =	sbarrier.arrive $0xFFFF  }
0x1f: {  	[tilespmem:s3], [sflag:$0x5] =	stream.linear.gather [hbm4b:s9+s3], $0x1400, $0x38;
	[tilespmem:$0x1E800] =	vst v63  }
0x20: {  	_ =	swait.ge [sflag:s14], $0x1400  }
0x21: {  	[sflag:s14] =	ssyncset.done $0x0  }
0x22: {  	[sflag:s14] =	ssyncadd.s32 $0xFFFFEC00  }
0x23: {  	[tilespmem:s15], [sflag:$0x5] =	stream.linear.gather [hbm4b:s10+s3], $0x1400, $0x38;
	[tilespmem:$0x1E800] =	vst v63  }
.Ltmp2:
0x24: {  	_ = 	snop;
	(pc) =	sbr.rel .LBB2_2-.Ltmp2, $4  }
0x25: {  	_ =	swait.ge [sflag:s14], $0x1400  }
0x26: {  	[sflag:s14] =	ssyncset.done $0x0  }
0x27: {  	s20 =	simm.s32 $0x0;
	[sflag:s14] =	ssyncadd.s32 $0xFFFFEC00  }
0x28: {  	[tilespmem:s17], [sflag:$0x1] =	stream.indirect.gather [hbm4b:s4+s16], $0x80, s3, s16, $0xb8;
	[tilespmem:$0x1E800] =	vst v63  }
.LBB2_4:
0x29: {  	s22 =	sadd.s32 @!p0 $0x1, s20  }
0x2a: {  	s22 =	simm.s32 @p0 $0x1  }
0x2b: {  	s23 =	sand.u32 $0x1, s22  }
0x2c: {  	s21 =	simm.s32 @p0 $0x0;
	s25 =	sshll.u32 s22, $0x7;
	s24 =	sshll.u32 s23, $0xE  }
0x2d: {  	s25 =	sand.u32 $0x3FFFFF80, s25;
	s23 =	sadd.s32 $0x1, s23;
	s24 =	sor.u32 $0x2800, s24  }
0x2e: {  	[tilespmem:s24], [sflag:s23] =	stream.indirect.gather [hbm4b:s4+s16], $0x80, s25, s16, $0xb8;
	[tilespmem:$0x1E800] =	vst v63  }
.LBB2_5:
0x2f: {  	s23 =	sadd.s32 $0x1, s21;
	s24 =	sshll.u32 s21, $0xE;
	p0 =	slt.u32 s22, $0x28  }
.Ltmp3:
0x30: {  	s20 =	sshll.u32 s20, $0x7;
	_ =	swait.ge [sflag:s23], $0x4000;
	(pc) =	sbr.rel @!p0 .LBB2_6-.Ltmp3, $4  }
0x31: {  	s31 =	sadd.s32 $0x3, s21;
	s20 =	sand.u32 $0x3FFFFF80, s20;
	[sflag:s23] =	ssyncset.done $0x0  }
0x32: {  	s24 =	sor.u32 $0x2800, s24;
	s20 =	sadd.s32 $0x1400, s20;
	[sflag:s23] =	ssyncadd.s32 $0xFFFFC000  }
0x33: {  	[spmem:s2] =	stream.indirect.scatter.add.f32 [tilespmem:s24], [sflag:s31], $0x80, s20, s16, $0xb8;
	[tilespmem:$0x1E800] =	vst v63  }
0x34: {  	s20 =	smov.u32 s22  }
.LBB2_2:
0x35: {  	p0 =	seq.s32 s20, $0x0  }
0x36: {  	p1 =	seq.s32 @!p0 s20, $0x27  }
0x37: {  	s21 =	sand.u32 @!p0 $0x1, s20;
	p1 =	por p0, !p1  }
.Ltmp4:
0x38: {  	s22 =	sxor.u32 @!p0 $0x1, s21;
	(pc) =	sbr.rel @p1 .LBB2_4-.Ltmp4, $4  }
0x39: {  	s22 =	sadd.s32 @!p0 $0x3, s22  }
0x3a: {  	_ =	swait.ge @!p0 [sflag:s22], $0x4000  }
0x3b: {  	[sflag:s22] =	ssyncset.done @!p0 $0x0  }
0x3c: {  	[sflag:s22] =	ssyncadd.s32 @!p0 $0xFFFFC000  }
.Ltmp5:
0x3d: {  	(pc) =	sbr.rel .LBB2_5-.Ltmp5, $2  }
0x3e: {  	_ =	sdelay $0x2  }
0x3f: {  	s22 =	simm.s32 @!p0 $0x28;
	s21 =	simm.s32 @!p0 $0x1  }
.LBB2_6:
0x40: {  	_ =	swait.ge [sflag:s18], $0x4000  }
0x41: {  	[sflag:s18] =	ssyncset.done $0x0  }
0x42: {  	s20 =	simm.s32 $0x0;
	[sflag:s18] =	ssyncadd.s32 $0xFFFFC000  }
0x43: {  	[tilespmem:s20], [sflag:$0x5] =	stream.linear.gather [hbm4b:s11+s20], $0x1400, $0x38;
	[tilespmem:$0x1E800] =	vst v63  }
0x44: {  	_ =	swait.ge [sflag:s14], $0x1400  }
0x45: {  	[sflag:s14] =	ssyncset.done $0x0  }
0x46: {  	[sflag:s14] =	ssyncadd.s32 $0xFFFFEC00  }
0x47: {  	[tilespmem:s15], [sflag:$0x5] =	stream.linear.gather [hbm4b:s12+s20], $0x1400, $0x38;
	[tilespmem:$0x1E800] =	vst v63  }
.Ltmp6:
0x48: {  	_ = 	snop;
	(pc) =	sbr.rel .LBB2_7-.Ltmp6, $4  }
0x49: {  	_ =	swait.ge [sflag:s14], $0x1400  }
0x4a: {  	[sflag:s14] =	ssyncset.done $0x0  }
0x4b: {  	[sflag:s14] =	ssyncadd.s32 $0xFFFFEC00  }
0x4c: {  	[tilespmem:s17], [sflag:$0x1] =	stream.indirect.gather [hbm4b:s4+s16], $0x80, s20, s16, $0xb8;
	[tilespmem:$0x1E800] =	vst v63  }
.LBB2_9:
0x4d: {  	s22 =	sadd.s32 @!p0 $0x1, s20  }
0x4e: {  	s22 =	simm.s32 @p0 $0x1  }
0x4f: {  	s23 =	sand.u32 $0x1, s22  }
0x50: {  	s21 =	simm.s32 @p0 $0x0;
	s25 =	sshll.u32 s22, $0x7;
	s24 =	sshll.u32 s23, $0xE  }
0x51: {  	s25 =	sand.u32 $0x3FFFFF80, s25;
	s23 =	sadd.s32 $0x1, s23;
	s24 =	sor.u32 $0x2800, s24  }
0x52: {  	[tilespmem:s24], [sflag:s23] =	stream.indirect.gather [hbm4b:s4+s16], $0x80, s25, s16, $0xb8;
	[tilespmem:$0x1E800] =	vst v63  }
.LBB2_10:
0x53: {  	s23 =	sadd.s32 $0x1, s21;
	s24 =	sshll.u32 s21, $0xE;
	p0 =	slt.u32 s22, $0x28  }
.Ltmp7:
0x54: {  	s20 =	sshll.u32 s20, $0x7;
	_ =	swait.ge [sflag:s23], $0x4000;
	(pc) =	sbr.rel @!p0 .LBB2_11-.Ltmp7, $4  }
0x55: {  	s31 =	sadd.s32 $0x3, s21;
	s20 =	sand.u32 $0x3FFFFF80, s20;
	[sflag:s23] =	ssyncset.done $0x0  }
0x56: {  	s24 =	sor.u32 $0x2800, s24;
	s20 =	sadd.s32 $0x1400, s20;
	[sflag:s23] =	ssyncadd.s32 $0xFFFFC000  }
0x57: {  	[spmem:s2] =	stream.indirect.scatter.add.f32 [tilespmem:s24], [sflag:s31], $0x80, s20, s16, $0xb8;
	[tilespmem:$0x1E800] =	vst v63  }
0x58: {  	s20 =	smov.u32 s22  }
.LBB2_7:
0x59: {  	p0 =	seq.s32 s20, $0x0  }
0x5a: {  	p1 =	seq.s32 @!p0 s20, $0x27  }
0x5b: {  	s21 =	sand.u32 @!p0 $0x1, s20;
	p1 =	por p0, !p1  }
.Ltmp8:
0x5c: {  	s22 =	sxor.u32 @!p0 $0x1, s21;
	(pc) =	sbr.rel @p1 .LBB2_9-.Ltmp8, $4  }
0x5d: {  	s22 =	sadd.s32 @!p0 $0x3, s22  }
0x5e: {  	_ =	swait.ge @!p0 [sflag:s22], $0x4000  }
0x5f: {  	[sflag:s22] =	ssyncset.done @!p0 $0x0  }
0x60: {  	[sflag:s22] =	ssyncadd.s32 @!p0 $0xFFFFC000  }
.Ltmp9:
0x61: {  	(pc) =	sbr.rel .LBB2_10-.Ltmp9, $2  }
0x62: {  	_ =	sdelay $0x2  }
0x63: {  	s22 =	simm.s32 @!p0 $0x28;
	s21 =	simm.s32 @!p0 $0x1  }
.LBB2_12:
0x64: {  	_ =	sfence.sel $0x180000  }
0x65: {  	[bflag:$0x0] =	sbarrier.arrive $0xFFFF  }
0x66: {  	p0 =	sne.s32 s0, $0x0;
	_ =	strace $0x9000004A  }
0x67: {  	s0 =	sadd.s32 @!p0 $0x100000, s1;
	[bflag:$0x2] =	sbarrier.arrive $0xFFFF  }
0x68: {  	[sflag:s0] =	ssyncadd.tile.s32 @!p0 $0x1;
	_ =	shalt  }
.Lfunc_end2:
_tile_overlayer_lowered:
.L_overlay_start_2:
0x69: {  	(tag) =	ssettag $0x2  }
0x6a: {  	s0 =	rddreg [dreg:$0x0];
	s2 =	stileid.u32  }
0x6b: {  	s1 =	rddreg [dreg:$0x1];
	p0 =	sne.s32 s2, $0x0  }
0x6c: {  	s3 =	rddreg [dreg:$0x2];
	[bflag:$0x3] =	sbarrier.arrive $0xFFFF;
	s2 =	simm.s32 @!p0 $0x1C05  }
0x6d: {  	[timem:s3], [sflag:s2] =	dma.local @!p0 [hbm:s0], s1  }
0x6e: {  	s0 =	simm.s32 @!p0 $0x5  }
0x6f: {  	_ =	swait.ge @!p0 [sflag:s0], s1  }
0x70: {  	s1 =	ssub.s32 @!p0 $0x0, s1;
	[sflag:s0] =	ssyncset.done @!p0 $0x0  }
0x71: {  	[sflag:s0] =	ssyncadd.s32 @!p0 s1  }
0x72: {  	[bflag:$0x3] =	sbarrier.arrive $0xFFFF  }
0x73: {  	_ =	shalt  }

// kernel: kernel.14.cloned.1.call-start
scs
__scs_entry_jumppad:
0x0: {  	(pc) =	sbr.rel $0x88, $3  }
0x1: {  	(tag) =	ssettag $0x0;
	lr =	simm.s32 $0x1  }
0x2: {  	[smem:$0x3F90] =	sst lr;
	_ =	strace $0xD0000000  }
0x3: {  	_ = 	snop  }
0x4: {  	_ = 	snop  }
0x5: {  	_ = 	snop  }
0x6: {  	_ = 	snop  }
0x7: {  	_ = 	snop  }
__scs_overlays_trampoline_lowered:
0x8: {  	[smem:$0x3F9F] =	sst s0  }
0x9: {  	[smem:$0x3FA0] =	sst s1  }
0xa: {  	[smem:$0x3FA1] =	sst s2  }
0xb: {  	[smem:$0x3FA2] =	sst s3  }
0xc: {  	[smem:$0x3FA3] =	sst s4  }
0xd: {  	[smem:$0x3FA4] =	sst s5  }
0xe: {  	[smem:$0x3FA5] =	sst s6  }
0xf: {  	[smem:$0x3FA6] =	sst s7  }
0x10: {  	[smem:$0x3FA7] =	sst s8  }
0x11: {  	[smem:$0x3FA8] =	sst s9;
	s0 =	simm.s32 @!p0 $0x0  }
0x12: {  	s1 =	sld [smem:$0x3F8E];
	s0 =	simm.s32 @p0 $0x1  }
0x13: {  	[smem:$0x3FA9] =	sst s0;
	s0 =	simm.s32 @!p1 $0x0  }
0x14: {  	s2 =	sld [smem:$0x3F8D];
	s0 =	simm.s32 @p1 $0x1  }
0x15: {  	[smem:$0x3FAA] =	sst s0;
	s0 =	simm.s32 @!p2 $0x0  }
0x16: {  	s3 =	sld [smem:$0x3FDB];
	s0 =	simm.s32 @p2 $0x1  }
0x17: {  	s4 =	simm.s32 $0x1BF5;
	[smem:$0x3FAC] =	sst s0  }
0x18: {  	s0 =	sld [smem:$0x3F8F];
	_ =	swait.ge [sflag:s4], $0x0  }
0x19: {  	s7 =	sld [smem:$0x3F90]  }
0x1a: {  	s8 =	sadd.s32 $0xFFFFE003, lr  }
0x1b: {  	s9 =	sadd.s32 $0xFFFFFEF7, lr;
	s5 =	simm.s32 $0xFFFFFFFF;
	p2 =	slt.u32 s8, $0xFFFFF086  }
0x1c: {  	p1 =	slt.u32 s9, $0xF7A;
	s5 =	simm.s32 @!p2 $0x0  }
0x1d: {  	s5 =	simm.s32 @p1 $0x1;
	p0 =	seq.s32 s7, s2  }
0x1e: {  	s7 =	smul.u32 @!p0 $0xF7A, s2;
	p2 =	seq.s32 @!p0 s5, $0x0  }
0x1f: {  	s9 =	smul.u32 $0xF7A, s1;
	s8 =	simm.s32 @!p0 $0x1BF5;
	p2 =	por !p2, p0  }
0x20: {  	[sflag:s8] =	ssyncset.s32 @!p0 $0xFFFFF086;
	s6 =	sadd.s32 @!p0 s3, s7;
	s7 =	simm.s32 @!p0 $0x108  }
0x21: {  	s3 =	sadd.s32 s3, s9;
	s6 =	sadd.s32 @!p0 $0x88, s6;
	s7 =	simm.s32 @p2 $0x1082  }
0x22: {  	[simem:s7], [sflag:s8] =	dma.local @!p0 [hbm:s6], $0xF7A  }
0x23: {  	s9 =	sor.u32 $0xD0000000, s2;
	s6 =	simm.s32 $0x108;
	_ =	swait.ge @!p0 [sflag:s8], $0x0  }
0x24: {  	s3 =	sadd.s32 $0x88, s3;
	s6 =	simm.s32 @!p1 $0x1082;
	[sflag:s4] =	ssyncset.s32 $0xFFFFF086  }
0x25: {  	[simem:s6], [sflag:s4] =	dma.local [hbm:s3], $0xF7A  }
0x26: {  	[smem:$0x3F90] =	sst s1;
	(tag) =	ssettag s2;
	_ =	strace s9  }
0x27: {  	s1 =	sld [smem:$0x3FA0]  }
0x28: {  	s2 =	sld [smem:$0x3FA1]  }
0x29: {  	s4 =	sld [smem:$0x3FA3]  }
0x2a: {  	p0 =	seq.s32 s5, $0x0;
	s5 =	sld [smem:$0x3FA4]  }
0x2b: {  	s6 =	sld [smem:$0x3FA5]  }
0x2c: {  	s7 =	sld [smem:$0x3FA6]  }
0x2d: {  	s3 =	simm.s32 $0x108;
	s8 =	sld [smem:$0x3FA7]  }
0x2e: {  	s3 =	simm.s32 @!p0 $0x1082;
	s9 =	sld [smem:$0x3FA8]  }
0x2f: {  	lr =	sadd.s32 s0, s3;
	s0 =	sld [smem:$0x3F9F]  }
0x30: {  	s3 =	sld [smem:$0x3FA2]  }
0x31: {  	[smem:$0x3FAB] =	sst s10  }
0x32: {  	s10 =	sld [smem:$0x3FA9];
	_ =	sdelay $0x3  }
0x33: {  	p0 =	seq.s32 s10, $0x1;
	s10 =	sld [smem:$0x3FAB];
	_ =	sdelay $0x3  }
0x34: {  	[smem:$0x3FAB] =	sst s10  }
0x35: {  	s10 =	sld [smem:$0x3FAA];
	_ =	sdelay $0x3  }
0x36: {  	p1 =	seq.s32 s10, $0x1;
	s10 =	sld [smem:$0x3FAB];
	_ =	sdelay $0x3  }
0x37: {  	[smem:$0x3FAB] =	sst s10  }
0x38: {  	s10 =	sld [smem:$0x3FAC]  }
0x39: {  	_ = 	snop;
	(pc) =	sbr.ind lr, $3  }
0x3a: {  	_ = 	snop  }
0x3b: {  	_ = 	snop  }
0x3c: {  	p2 =	seq.s32 s10, $0x1;
	s10 =	sld [smem:$0x3FAB]  }
0x3d: {  	_ =	shalt  }
0x3e: {  	_ =	shalt  }
0x3f: {  	_ =	shalt  }
0x40: {  	_ =	shalt  }
0x41: {  	_ =	shalt  }
0x42: {  	_ =	shalt  }
0x43: {  	_ =	shalt  }
0x44: {  	_ =	shalt  }
0x45: {  	_ =	shalt  }
0x46: {  	_ =	shalt  }
0x47: {  	_ =	shalt  }
0x48: {  	_ =	shalt  }
0x49: {  	_ =	shalt  }
0x4a: {  	_ =	shalt  }
0x4b: {  	_ =	shalt  }
0x4c: {  	_ =	shalt  }
0x4d: {  	_ =	shalt  }
0x4e: {  	_ =	shalt  }
0x4f: {  	_ =	shalt  }
0x50: {  	_ =	shalt  }
0x51: {  	_ =	shalt  }
0x52: {  	_ =	shalt  }
0x53: {  	_ =	shalt  }
0x54: {  	_ =	shalt  }
0x55: {  	_ =	shalt  }
0x56: {  	_ =	shalt  }
0x57: {  	_ =	shalt  }
0x58: {  	_ =	shalt  }
0x59: {  	_ =	shalt  }
0x5a: {  	_ =	shalt  }
0x5b: {  	_ =	shalt  }
0x5c: {  	_ =	shalt  }
0x5d: {  	_ =	shalt  }
0x5e: {  	_ =	shalt  }
0x5f: {  	_ =	shalt  }
0x60: {  	_ =	shalt  }
0x61: {  	_ =	shalt  }
0x62: {  	_ =	shalt  }
0x63: {  	_ =	shalt  }
0x64: {  	_ =	shalt  }
0x65: {  	_ =	shalt  }
0x66: {  	_ =	shalt  }
0x67: {  	_ =	shalt  }
0x68: {  	_ =	shalt  }
0x69: {  	_ =	shalt  }
0x6a: {  	_ =	shalt  }
0x6b: {  	_ =	shalt  }
0x6c: {  	_ =	shalt  }
0x6d: {  	_ =	shalt  }
0x6e: {  	_ =	shalt  }
0x6f: {  	_ =	shalt  }
0x70: {  	_ =	shalt  }
0x71: {  	_ =	shalt  }
0x72: {  	_ =	shalt  }
0x73: {  	_ =	shalt  }
0x74: {  	_ =	shalt  }
0x75: {  	_ =	shalt  }
0x76: {  	_ =	shalt  }
0x77: {  	_ =	shalt  }
0x78: {  	_ =	shalt  }
0x79: {  	_ =	shalt  }
0x7a: {  	_ =	shalt  }
0x7b: {  	_ =	shalt  }
0x7c: {  	_ =	shalt  }
0x7d: {  	_ =	shalt  }
0x7e: {  	_ =	shalt  }
0x7f: {  	_ =	shalt  }
0x80: {  	_ =	shalt  }
0x81: {  	_ =	shalt  }
0x82: {  	_ =	shalt  }
0x83: {  	_ =	shalt  }
0x84: {  	_ =	shalt  }
0x85: {  	_ =	shalt  }
0x86: {  	_ =	shalt  }
0x87: {  	_ =	shalt  }
.Lfunc_end0:
.L_simem_size_0:
called_computation.2_lowered:
.L_overlay_start_0:
0x88: {  	s2 =	sld [smem:$0x3FD9]  }
0x89: {  	s3 =	sld [smem:$0x3FFE];
	_ =	sdelay $0x1  }
0x8a: {  	s1 =	srdreg.scid  }
0x8b: {  	s0 =	sand.u32 $0x1, s1  }
0x8c: {  	s14 =	sshll.u32 s0, $0xA;
	s2 =	sadd.s32 s3, s2  }
0x8d: {  	s2 =	sadd.s32 s2, s14  }
0x8e: {  	[smem:$0x3FB7] =	sst s2  }
0x8f: {  	_ = 	snop  }
0x90: {  	s2 =	sld [smem:$0x3FD0];
	_ =	sdelay $0x2  }
0x91: {  	s15 =	simm.s32 $0xA;
	s4 =	simm.s32 $0x10  }
0x92: {  	[smem:s4], [sflag:s15] =	dma.local [hbm:s2], $0x1  }
0x93: {  	_ =	swait.eq [sflag:s15], $0x1  }
0x94: {  	[sflag:s15] =	ssyncset.done $0x0  }
0x95: {  	s16 =	sld [smem:$0x10];
	[sflag:s15] =	ssyncadd.s32 $0xFFFFFFFF  }
0x96: {  	s17 =	sld [smem:$0x11];
	(tm) =	ssettm $0x1  }
0x97: {  	s18 =	sld [smem:$0x3FFB];
	_ =	sdelay $0x3  }
0x98: {  	_ =	strace s18  }
0x99: {  	s4 =	sld [smem:$0x3FFC];
	_ =	sdelay $0x3  }
0x9a: {  	_ =	strace s4  }
0x9b: {  	s4 =	sld [smem:$0x3FFD];
	_ =	sdelay $0x3  }
0x9c: {  	_ =	strace s4  }
0x9d: {  	_ =	strace $0x8FFFFFFF  }
0x9e: {  	s19 =	sld [smem:$0x3FDB];
	_ =	sdelay $0x1  }
0x9f: {  	s5 =	simm.s32 $_scs_section_size  }
0xa0: {  	s6 =	simm.s32 $_size__tile_overlayer_lowered;
	s7 =	simm.s32 $_tile_overlayer_lowered  }
0xa1: {  	s22 =	simm.s32 $0x1BFF;
	s21 =	sshll.u32 s7, $0x1;
	s4 =	sadd.s32 s5, s19  }
0xa2: {  	s8 =	simm.s32 $0x0;
	s20 =	sshll.u32 s6, $0x1;
	s6 =	sadd.s32 s21, s4  }
0xa3: {  	[timem:s8], [sflag:s22] =	dma.local [hbm:s6], s20  }
0xa4: {  	_ =	swait.ge [sflag:s22], s20  }
0xa5: {  	s5 =	ssub.s32 $0x0, s20;
	[sflag:s22] =	ssyncset.done $0x0  }
0xa6: {  	[sflag:s22] =	ssyncadd.s32 s5;
	_ =	sdelay $0x1  }
0xa7: {  	s23 =	simm.s32 $0x1B8B  }
0xa8: {  	_ =	swait.ge [sflag:s23], $0x1  }
0xa9: {  	[sflag:s23] =	ssyncset.done $0x0  }
0xaa: {  	s25 =	simm.s32 $0x1B8E;
	s24 =	sld [smem:$0x3FFE];
	[sflag:s23] =	ssyncadd.s32 $0xFFFFFFFF  }
0xab: {  	s26 =	simm.s32 $execute0_lowered;
	[smem:$0x3FD2] =	sst s25  }
0xac: {  	s6 =	sshll.u32 s26, $0x1;
	_ =	strace $0x8000004C;
	[dreg:$0x1] =	wrdreg $0xFFFFFFFF  }
0xad: {  	s28 =	simm.s32 $_size_execute0_lowered;
	s4 =	sadd.s32 s4, s6;
	[dreg:$0x0] =	wrdreg $0x0  }
0xae: {  	s6 =	sshll.u32 s28, $0x1;
	[dreg:$0x2] =	wrdreg s4  }
0xaf: {  	[dreg:$0x3] =	wrdreg s6  }
0xb0: {  	[dreg:$0x4] =	wrdreg $0xC0  }
0xb1: {  	_ =	task [dreg:s8], $0x5FFFF  }
0xb2: {  	[dreg:$0x1] =	wrdreg $0xFFFFFFFF  }
0xb3: {  	[dreg:$0x0] =	wrdreg $0x60  }
0xb4: {  	[dreg:$0x2] =	wrdreg s24  }
0xb5: {  	[dreg:$0x3] =	wrdreg s16  }
0xb6: {  	[dreg:$0x4] =	wrdreg s17  }
0xb7: {  	[dreg:$0x5] =	wrdreg $0xA8000  }
0xb8: {  	[dreg:$0x6] =	wrdreg $0x9  }
0xb9: {  	_ =	task.clear_ibuf [dreg:s8], $0x7FFFF;
	_ =	strace $0x9000004C  }
0xba: {  	s29 =	simm.s32 $0x9;
	_ =	strace $0x8000004E  }
0xbb: {  	_ =	swait.ge [sflag:s29], $0x1  }
0xbc: {  	[sflag:s29] =	ssyncadd.s32 $0xFFFFFFFF  }
0xbd: {  	_ =	strace $0x9000004E  }
0xbe: {  	_ =	sfence  }
0xbf: {  	s30 =	sld [smem:$0x0];
	_ =	sdelay $0x2  }
0xc0: {  	s31 =	sshll.u32 s1, $0xD;
	s1 =	sshrl.u32 s1, $0x2  }
0xc1: {  	s3 =	sand.u32 $0x4000, s31;
	s1 =	sadd.s32 s1, s30  }
0xc2: {  	s0 =	sor.u32 s3, s0;
	s1 =	sshll.u32 s1, $0x11  }
0xc3: {  	s0 =	sor.u32 s1, s0  }
0xc4: {  	s0 =	sadd.s32 $0x8F2B, s0  }
0xc5: {  	[sflag:s0] =	ssyncadd.remote.s32 $0x1  }
0xc6: {  	_ =	sfence.sel $0xFFFF  }
0xc7: {  	[dreg:$0x0] =	wrdreg $0xFFFFFFFF;
	(pc) =	sbr.abs _section_cstart, $3  }
0xc8: {  	[dreg:$0x1] =	wrdreg $0xFFFFFFFF  }
0xc9: {  	_ =	task.clear_ibuf [dreg:s8], $0x2FFFF;
	_ =	strace $0x9FFFFFFF  }
0xca: {  	(tm) =	ssettm $0x7FFFFFFF  }
0xcb: {  	_ =	shalt  }
tec
execute0_lowered:
.L_overlay_start_1:
0x0: {  	(tag) =	ssettag $0x1  }
0x1: {  	s5 =	rddreg [dreg:$0x0]  }
0x2: {  	s11 =	rddreg [dreg:$0x1]  }
0x3: {  	s12 =	rddreg [dreg:$0x2];
	s0 =	stileid.u32  }
0x4: {  	s1 =	srdreg.scid;
	s2 =	rddreg [dreg:$0x3];
	s3 =	simm.s32 $0x0  }
0x5: {  	s15 =	simm.s32 $0x1400;
	s16 =	simm.s32 $0x80;
	s17 =	simm.s32 $0x2800  }
0x6: {  	s18 =	simm.s32 $0x4;
	s7 =	sand.u32 $0x1, s1;
	s1 =	rddreg [dreg:$0x4]  }
0x7: {  	s19 =	simm.s32 $0x0;
	s6 =	smul.u32 $0x14000, s0;
	[smem:$0x7FF] =	sst s3  }
0x8: {  	s4 =	sadd.s32 $0x3800, s5;
	s9 =	smul.u32 $0x50000, s0;
	s31 =	sshll.u32 s0, $0x6  }
0x9: {  	s8 =	smul.u32 $0x140000, s7;
	_ =	strace $0x8000004D;
	s30 =	ssub.s32 $0x2, s7  }
0xa: {  	s7 =	sshll.u32 s7, $0x4;
	s10 =	sshrl.u32 s30, $0x1;
	s9 =	sshrl.u32 s9, $0x2  }
0xb: {  	s7 =	sor.u32 s0, s7;
	s8 =	sadd.s32 s6, s8;
	s6 =	sshrl.u32 s6, $0x3  }
0xc: {  	s10 =	ssub.s32 s30, s10;
	s13 =	sadd.s32 s9, s2;
	s14 =	smul.u32 $0x500, s7  }
.Ltmp0:
0xd: {  	s8 =	sshrl.u32 s8, $0x3;
	s6 =	sadd.s32 s6, s5;
	(pc) =	sbr.rel .LBB2_1-.Ltmp0, $4  }
0xe: {  	s13 =	sshrl.u32 s13, $0x3;
	s8 =	sadd.s32 s8, s5;
	s5 =	sadd.s32 $0x2AA00, s6  }
0xf: {  	s6 =	sor.u32 $0x1C05, s31;
	s9 =	sadd.s32 s11, s14;
	s7 =	sadd.s32 $0x52A00, s8  }
0x10: {  	s8 =	smax.u32 s10, $0x1;
	s10 =	sadd.s32 s12, s14;
	s14 =	sadd.s32 $0x280, s14  }
0x11: {  	s11 =	sadd.s32 s11, s14;
	s12 =	sadd.s32 s12, s14;
	s14 =	simm.s32 $0x5  }
.LBB2_11:
0x12: {  	_ =	swait.ge [sflag:s18], $0x4000  }
0x13: {  	s19 =	sadd.s32 $0x1, s19;
	[sflag:s18] =	ssyncset.done $0x0  }
0x14: {  	p0 =	sne.s32 s19, s8;
	[sflag:s18] =	ssyncadd.s32 $0xFFFFC000  }
.Ltmp1:
0x15: {  	[bflag:$0x0] =	sbarrier.arrive $0xFFFF;
	(pc) =	sbr.rel @!p0 .LBB2_12-.Ltmp1, $4  }
0x16: {  	[hbm:s7], [sflag:s6] =	dma.local [spmem:s13], $0x2800  }
0x17: {  	_ =	swait.ge [sflag:s14], $0x2800  }
0x18: {  	[sflag:s14] =	ssyncset.done $0x0  }
0x19: {  	[sflag:s14] =	ssyncadd.s32 $0xFFFFD800  }
.LBB2_1:
0x1a: {  	[spmem:s13], [sflag:s6] =	dma.local [hbm:s5], $0x2800  }
0x1b: {  	_ =	swait.ge [sflag:s14], $0x2800  }
0x1c: {  	[sflag:s14] =	ssyncset.done $0x0  }
0x1d: {  	[sflag:s14] =	ssyncadd.s32 $0xFFFFD800  }
0x1e: {  	[bflag:$0x0] =	sbarrier.arrive $0xFFFF  }
0x1f: {  	[tilespmem:s3], [sflag:$0x5] =	stream.linear.gather [hbm4b:s9+s3], $0x1400, $0x38;
	[tilespmem:$0x1E800] =	vst v63  }
0x20: {  	_ =	swait.ge [sflag:s14], $0x1400  }
0x21: {  	[sflag:s14] =	ssyncset.done $0x0  }
0x22: {  	[sflag:s14] =	ssyncadd.s32 $0xFFFFEC00  }
0x23: {  	[tilespmem:s15], [sflag:$0x5] =	stream.linear.gather [hbm4b:s10+s3], $0x1400, $0x38;
	[tilespmem:$0x1E800] =	vst v63  }
.Ltmp2:
0x24: {  	_ = 	snop;
	(pc) =	sbr.rel .LBB2_2-.Ltmp2, $4  }
0x25: {  	_ =	swait.ge [sflag:s14], $0x1400  }
0x26: {  	[sflag:s14] =	ssyncset.done $0x0  }
0x27: {  	s20 =	simm.s32 $0x0;
	[sflag:s14] =	ssyncadd.s32 $0xFFFFEC00  }
0x28: {  	[tilespmem:s17], [sflag:$0x1] =	stream.indirect.gather [hbm4b:s4+s16], $0x80, s3, s16, $0xb8;
	[tilespmem:$0x1E800] =	vst v63  }
.LBB2_4:
0x29: {  	s22 =	sadd.s32 @!p0 $0x1, s20  }
0x2a: {  	s22 =	simm.s32 @p0 $0x1  }
0x2b: {  	s23 =	sand.u32 $0x1, s22  }
0x2c: {  	s21 =	simm.s32 @p0 $0x0;
	s25 =	sshll.u32 s22, $0x7;
	s24 =	sshll.u32 s23, $0xE  }
0x2d: {  	s25 =	sand.u32 $0x3FFFFF80, s25;
	s23 =	sadd.s32 $0x1, s23;
	s24 =	sor.u32 $0x2800, s24  }
0x2e: {  	[tilespmem:s24], [sflag:s23] =	stream.indirect.gather [hbm4b:s4+s16], $0x80, s25, s16, $0xb8;
	[tilespmem:$0x1E800] =	vst v63  }
.LBB2_5:
0x2f: {  	s23 =	sadd.s32 $0x1, s21;
	s24 =	sshll.u32 s21, $0xE;
	p0 =	slt.u32 s22, $0x28  }
.Ltmp3:
0x30: {  	s20 =	sshll.u32 s20, $0x7;
	_ =	swait.ge [sflag:s23], $0x4000;
	(pc) =	sbr.rel @!p0 .LBB2_6-.Ltmp3, $4  }
0x31: {  	s31 =	sadd.s32 $0x3, s21;
	s20 =	sand.u32 $0x3FFFFF80, s20;
	[sflag:s23] =	ssyncset.done $0x0  }
0x32: {  	s24 =	sor.u32 $0x2800, s24;
	s20 =	sadd.s32 $0x1400, s20;
	[sflag:s23] =	ssyncadd.s32 $0xFFFFC000  }
0x33: {  	[spmem:s2] =	stream.indirect.scatter.add.f32 [tilespmem:s24], [sflag:s31], $0x80, s20, s16, $0xb8;
	[tilespmem:$0x1E800] =	vst v63  }
0x34: {  	s20 =	smov.u32 s22  }
.LBB2_2:
0x35: {  	p0 =	seq.s32 s20, $0x0  }
0x36: {  	p1 =	seq.s32 @!p0 s20, $0x27  }
0x37: {  	s21 =	sand.u32 @!p0 $0x1, s20;
	p1 =	por p0, !p1  }
.Ltmp4:
0x38: {  	s22 =	sxor.u32 @!p0 $0x1, s21;
	(pc) =	sbr.rel @p1 .LBB2_4-.Ltmp4, $4  }
0x39: {  	s22 =	sadd.s32 @!p0 $0x3, s22  }
0x3a: {  	_ =	swait.ge @!p0 [sflag:s22], $0x4000  }
0x3b: {  	[sflag:s22] =	ssyncset.done @!p0 $0x0  }
0x3c: {  	[sflag:s22] =	ssyncadd.s32 @!p0 $0xFFFFC000  }
.Ltmp5:
0x3d: {  	(pc) =	sbr.rel .LBB2_5-.Ltmp5, $2  }
0x3e: {  	_ =	sdelay $0x2  }
0x3f: {  	s22 =	simm.s32 @!p0 $0x28;
	s21 =	simm.s32 @!p0 $0x1  }
.LBB2_6:
0x40: {  	_ =	swait.ge [sflag:s18], $0x4000  }
0x41: {  	[sflag:s18] =	ssyncset.done $0x0  }
0x42: {  	s20 =	simm.s32 $0x0;
	[sflag:s18] =	ssyncadd.s32 $0xFFFFC000  }
0x43: {  	[tilespmem:s20], [sflag:$0x5] =	stream.linear.gather [hbm4b:s11+s20], $0x1400, $0x38;
	[tilespmem:$0x1E800] =	vst v63  }
0x44: {  	_ =	swait.ge [sflag:s14], $0x1400  }
0x45: {  	[sflag:s14] =	ssyncset.done $0x0  }
0x46: {  	[sflag:s14] =	ssyncadd.s32 $0xFFFFEC00  }
0x47: {  	[tilespmem:s15], [sflag:$0x5] =	stream.linear.gather [hbm4b:s12+s20], $0x1400, $0x38;
	[tilespmem:$0x1E800] =	vst v63  }
.Ltmp6:
0x48: {  	_ = 	snop;
	(pc) =	sbr.rel .LBB2_7-.Ltmp6, $4  }
0x49: {  	_ =	swait.ge [sflag:s14], $0x1400  }
0x4a: {  	[sflag:s14] =	ssyncset.done $0x0  }
0x4b: {  	[sflag:s14] =	ssyncadd.s32 $0xFFFFEC00  }
0x4c: {  	[tilespmem:s17], [sflag:$0x1] =	stream.indirect.gather [hbm4b:s4+s16], $0x80, s20, s16, $0xb8;
	[tilespmem:$0x1E800] =	vst v63  }
.LBB2_9:
0x4d: {  	s22 =	sadd.s32 @!p0 $0x1, s20  }
0x4e: {  	s22 =	simm.s32 @p0 $0x1  }
0x4f: {  	s23 =	sand.u32 $0x1, s22  }
0x50: {  	s21 =	simm.s32 @p0 $0x0;
	s25 =	sshll.u32 s22, $0x7;
	s24 =	sshll.u32 s23, $0xE  }
0x51: {  	s25 =	sand.u32 $0x3FFFFF80, s25;
	s23 =	sadd.s32 $0x1, s23;
	s24 =	sor.u32 $0x2800, s24  }
0x52: {  	[tilespmem:s24], [sflag:s23] =	stream.indirect.gather [hbm4b:s4+s16], $0x80, s25, s16, $0xb8;
	[tilespmem:$0x1E800] =	vst v63  }
.LBB2_10:
0x53: {  	s23 =	sadd.s32 $0x1, s21;
	s24 =	sshll.u32 s21, $0xE;
	p0 =	slt.u32 s22, $0x28  }
.Ltmp7:
0x54: {  	s20 =	sshll.u32 s20, $0x7;
	_ =	swait.ge [sflag:s23], $0x4000;
	(pc) =	sbr.rel @!p0 .LBB2_11-.Ltmp7, $4  }
0x55: {  	s31 =	sadd.s32 $0x3, s21;
	s20 =	sand.u32 $0x3FFFFF80, s20;
	[sflag:s23] =	ssyncset.done $0x0  }
0x56: {  	s24 =	sor.u32 $0x2800, s24;
	s20 =	sadd.s32 $0x1400, s20;
	[sflag:s23] =	ssyncadd.s32 $0xFFFFC000  }
0x57: {  	[spmem:s2] =	stream.indirect.scatter.add.f32 [tilespmem:s24], [sflag:s31], $0x80, s20, s16, $0xb8;
	[tilespmem:$0x1E800] =	vst v63  }
0x58: {  	s20 =	smov.u32 s22  }
.LBB2_7:
0x59: {  	p0 =	seq.s32 s20, $0x0  }
0x5a: {  	p1 =	seq.s32 @!p0 s20, $0x27  }
0x5b: {  	s21 =	sand.u32 @!p0 $0x1, s20;
	p1 =	por p0, !p1  }
.Ltmp8:
0x5c: {  	s22 =	sxor.u32 @!p0 $0x1, s21;
	(pc) =	sbr.rel @p1 .LBB2_9-.Ltmp8, $4  }
0x5d: {  	s22 =	sadd.s32 @!p0 $0x3, s22  }
0x5e: {  	_ =	swait.ge @!p0 [sflag:s22], $0x4000  }
0x5f: {  	[sflag:s22] =	ssyncset.done @!p0 $0x0  }
0x60: {  	[sflag:s22] =	ssyncadd.s32 @!p0 $0xFFFFC000  }
.Ltmp9:
0x61: {  	(pc) =	sbr.rel .LBB2_10-.Ltmp9, $2  }
0x62: {  	_ =	sdelay $0x2  }
0x63: {  	s22 =	simm.s32 @!p0 $0x28;
	s21 =	simm.s32 @!p0 $0x1  }
.LBB2_12:
0x64: {  	_ =	sfence.sel $0x180000  }
0x65: {  	[bflag:$0x0] =	sbarrier.arrive $0xFFFF  }
0x66: {  	p0 =	sne.s32 s0, $0x0;
	_ =	strace $0x9000004D  }
0x67: {  	s0 =	sadd.s32 @!p0 $0x100000, s1;
	[bflag:$0x2] =	sbarrier.arrive $0xFFFF  }
0x68: {  	[sflag:s0] =	ssyncadd.tile.s32 @!p0 $0x1;
	_ =	shalt  }
.Lfunc_end2:
_tile_overlayer_lowered:
.L_overlay_start_2:
0x69: {  	(tag) =	ssettag $0x2  }
0x6a: {  	s0 =	rddreg [dreg:$0x0];
	s2 =	stileid.u32  }
0x6b: {  	s1 =	rddreg [dreg:$0x1];
	p0 =	sne.s32 s2, $0x0  }
0x6c: {  	s3 =	rddreg [dreg:$0x2];
	[bflag:$0x3] =	sbarrier.arrive $0xFFFF;
	s2 =	simm.s32 @!p0 $0x1C05  }
0x6d: {  	[timem:s3], [sflag:s2] =	dma.local @!p0 [hbm:s0], s1  }
0x6e: {  	s0 =	simm.s32 @!p0 $0x5  }
0x6f: {  	_ =	swait.ge @!p0 [sflag:s0], s1  }
0x70: {  	s1 =	ssub.s32 @!p0 $0x0, s1;
	[sflag:s0] =	ssyncset.done @!p0 $0x0  }
0x71: {  	[sflag:s0] =	ssyncadd.s32 @!p0 s1  }
0x72: {  	[bflag:$0x3] =	sbarrier.arrive $0xFFFF  }
0x73: {  	_ =	shalt  }

// kernel: kernel.8.cloned.1.call-start
scs
__scs_entry_jumppad:
0x0: {  	(pc) =	sbr.rel $0x88, $3  }
0x1: {  	(tag) =	ssettag $0x0;
	lr =	simm.s32 $0x1  }
0x2: {  	[smem:$0x3F90] =	sst lr;
	_ =	strace $0xD0000000  }
0x3: {  	_ = 	snop  }
0x4: {  	_ = 	snop  }
0x5: {  	_ = 	snop  }
0x6: {  	_ = 	snop  }
0x7: {  	_ = 	snop  }
__scs_overlays_trampoline_lowered:
0x8: {  	[smem:$0x3F9F] =	sst s0  }
0x9: {  	[smem:$0x3FA0] =	sst s1  }
0xa: {  	[smem:$0x3FA1] =	sst s2  }
0xb: {  	[smem:$0x3FA2] =	sst s3  }
0xc: {  	[smem:$0x3FA3] =	sst s4  }
0xd: {  	[smem:$0x3FA4] =	sst s5  }
0xe: {  	[smem:$0x3FA5] =	sst s6  }
0xf: {  	[smem:$0x3FA6] =	sst s7  }
0x10: {  	[smem:$0x3FA7] =	sst s8  }
0x11: {  	[smem:$0x3FA8] =	sst s9;
	s0 =	simm.s32 @!p0 $0x0  }
0x12: {  	s1 =	sld [smem:$0x3F8E];
	s0 =	simm.s32 @p0 $0x1  }
0x13: {  	[smem:$0x3FA9] =	sst s0;
	s0 =	simm.s32 @!p1 $0x0  }
0x14: {  	s2 =	sld [smem:$0x3F8D];
	s0 =	simm.s32 @p1 $0x1  }
0x15: {  	[smem:$0x3FAA] =	sst s0;
	s0 =	simm.s32 @!p2 $0x0  }
0x16: {  	s3 =	sld [smem:$0x3FDB];
	s0 =	simm.s32 @p2 $0x1  }
0x17: {  	s4 =	simm.s32 $0x1BF5;
	[smem:$0x3FAC] =	sst s0  }
0x18: {  	s0 =	sld [smem:$0x3F8F];
	_ =	swait.ge [sflag:s4], $0x0  }
0x19: {  	s7 =	sld [smem:$0x3F90]  }
0x1a: {  	s8 =	sadd.s32 $0xFFFFE003, lr  }
0x1b: {  	s9 =	sadd.s32 $0xFFFFFEF7, lr;
	s5 =	simm.s32 $0xFFFFFFFF;
	p2 =	slt.u32 s8, $0xFFFFF086  }
0x1c: {  	p1 =	slt.u32 s9, $0xF7A;
	s5 =	simm.s32 @!p2 $0x0  }
0x1d: {  	s5 =	simm.s32 @p1 $0x1;
	p0 =	seq.s32 s7, s2  }
0x1e: {  	s7 =	smul.u32 @!p0 $0xF7A, s2;
	p2 =	seq.s32 @!p0 s5, $0x0  }
0x1f: {  	s9 =	smul.u32 $0xF7A, s1;
	s8 =	simm.s32 @!p0 $0x1BF5;
	p2 =	por !p2, p0  }
0x20: {  	[sflag:s8] =	ssyncset.s32 @!p0 $0xFFFFF086;
	s6 =	sadd.s32 @!p0 s3, s7;
	s7 =	simm.s32 @!p0 $0x108  }
0x21: {  	s3 =	sadd.s32 s3, s9;
	s6 =	sadd.s32 @!p0 $0x88, s6;
	s7 =	simm.s32 @p2 $0x1082  }
0x22: {  	[simem:s7], [sflag:s8] =	dma.local @!p0 [hbm:s6], $0xF7A  }
0x23: {  	s9 =	sor.u32 $0xD0000000, s2;
	s6 =	simm.s32 $0x108;
	_ =	swait.ge @!p0 [sflag:s8], $0x0  }
0x24: {  	s3 =	sadd.s32 $0x88, s3;
	s6 =	simm.s32 @!p1 $0x1082;
	[sflag:s4] =	ssyncset.s32 $0xFFFFF086  }
0x25: {  	[simem:s6], [sflag:s4] =	dma.local [hbm:s3], $0xF7A  }
0x26: {  	[smem:$0x3F90] =	sst s1;
	(tag) =	ssettag s2;
	_ =	strace s9  }
0x27: {  	s1 =	sld [smem:$0x3FA0]  }
0x28: {  	s2 =	sld [smem:$0x3FA1]  }
0x29: {  	s4 =	sld [smem:$0x3FA3]  }
0x2a: {  	p0 =	seq.s32 s5, $0x0;
	s5 =	sld [smem:$0x3FA4]  }
0x2b: {  	s6 =	sld [smem:$0x3FA5]  }
0x2c: {  	s7 =	sld [smem:$0x3FA6]  }
0x2d: {  	s3 =	simm.s32 $0x108;
	s8 =	sld [smem:$0x3FA7]  }
0x2e: {  	s3 =	simm.s32 @!p0 $0x1082;
	s9 =	sld [smem:$0x3FA8]  }
0x2f: {  	lr =	sadd.s32 s0, s3;
	s0 =	sld [smem:$0x3F9F]  }
0x30: {  	s3 =	sld [smem:$0x3FA2]  }
0x31: {  	[smem:$0x3FAB] =	sst s10  }
0x32: {  	s10 =	sld [smem:$0x3FA9];
	_ =	sdelay $0x3  }
0x33: {  	p0 =	seq.s32 s10, $0x1;
	s10 =	sld [smem:$0x3FAB];
	_ =	sdelay $0x3  }
0x34: {  	[smem:$0x3FAB] =	sst s10  }
0x35: {  	s10 =	sld [smem:$0x3FAA];
	_ =	sdelay $0x3  }
0x36: {  	p1 =	seq.s32 s10, $0x1;
	s10 =	sld [smem:$0x3FAB];
	_ =	sdelay $0x3  }
0x37: {  	[smem:$0x3FAB] =	sst s10  }
0x38: {  	s10 =	sld [smem:$0x3FAC]  }
0x39: {  	_ = 	snop;
	(pc) =	sbr.ind lr, $3  }
0x3a: {  	_ = 	snop  }
0x3b: {  	_ = 	snop  }
0x3c: {  	p2 =	seq.s32 s10, $0x1;
	s10 =	sld [smem:$0x3FAB]  }
0x3d: {  	_ =	shalt  }
0x3e: {  	_ =	shalt  }
0x3f: {  	_ =	shalt  }
0x40: {  	_ =	shalt  }
0x41: {  	_ =	shalt  }
0x42: {  	_ =	shalt  }
0x43: {  	_ =	shalt  }
0x44: {  	_ =	shalt  }
0x45: {  	_ =	shalt  }
0x46: {  	_ =	shalt  }
0x47: {  	_ =	shalt  }
0x48: {  	_ =	shalt  }
0x49: {  	_ =	shalt  }
0x4a: {  	_ =	shalt  }
0x4b: {  	_ =	shalt  }
0x4c: {  	_ =	shalt  }
0x4d: {  	_ =	shalt  }
0x4e: {  	_ =	shalt  }
0x4f: {  	_ =	shalt  }
0x50: {  	_ =	shalt  }
0x51: {  	_ =	shalt  }
0x52: {  	_ =	shalt  }
0x53: {  	_ =	shalt  }
0x54: {  	_ =	shalt  }
0x55: {  	_ =	shalt  }
0x56: {  	_ =	shalt  }
0x57: {  	_ =	shalt  }
0x58: {  	_ =	shalt  }
0x59: {  	_ =	shalt  }
0x5a: {  	_ =	shalt  }
0x5b: {  	_ =	shalt  }
0x5c: {  	_ =	shalt  }
0x5d: {  	_ =	shalt  }
0x5e: {  	_ =	shalt  }
0x5f: {  	_ =	shalt  }
0x60: {  	_ =	shalt  }
0x61: {  	_ =	shalt  }
0x62: {  	_ =	shalt  }
0x63: {  	_ =	shalt  }
0x64: {  	_ =	shalt  }
0x65: {  	_ =	shalt  }
0x66: {  	_ =	shalt  }
0x67: {  	_ =	shalt  }
0x68: {  	_ =	shalt  }
0x69: {  	_ =	shalt  }
0x6a: {  	_ =	shalt  }
0x6b: {  	_ =	shalt  }
0x6c: {  	_ =	shalt  }
0x6d: {  	_ =	shalt  }
0x6e: {  	_ =	shalt  }
0x6f: {  	_ =	shalt  }
0x70: {  	_ =	shalt  }
0x71: {  	_ =	shalt  }
0x72: {  	_ =	shalt  }
0x73: {  	_ =	shalt  }
0x74: {  	_ =	shalt  }
0x75: {  	_ =	shalt  }
0x76: {  	_ =	shalt  }
0x77: {  	_ =	shalt  }
0x78: {  	_ =	shalt  }
0x79: {  	_ =	shalt  }
0x7a: {  	_ =	shalt  }
0x7b: {  	_ =	shalt  }
0x7c: {  	_ =	shalt  }
0x7d: {  	_ =	shalt  }
0x7e: {  	_ =	shalt  }
0x7f: {  	_ =	shalt  }
0x80: {  	_ =	shalt  }
0x81: {  	_ =	shalt  }
0x82: {  	_ =	shalt  }
0x83: {  	_ =	shalt  }
0x84: {  	_ =	shalt  }
0x85: {  	_ =	shalt  }
0x86: {  	_ =	shalt  }
0x87: {  	_ =	shalt  }
.Lfunc_end0:
.L_simem_size_0:
called_computation_lowered:
.L_overlay_start_0:
0x88: {  	s2 =	sld [smem:$0x3FD9]  }
0x89: {  	s3 =	sld [smem:$0x3FFE];
	_ =	sdelay $0x1  }
0x8a: {  	s1 =	srdreg.scid  }
0x8b: {  	s0 =	sand.u32 $0x1, s1  }
0x8c: {  	s14 =	sshll.u32 s0, $0xA;
	s2 =	sadd.s32 s3, s2  }
0x8d: {  	s2 =	sadd.s32 s2, s14  }
0x8e: {  	[smem:$0x3FB7] =	sst s2  }
0x8f: {  	_ = 	snop  }
0x90: {  	s2 =	sld [smem:$0x3FD0];
	_ =	sdelay $0x2  }
0x91: {  	s15 =	simm.s32 $0xA;
	s4 =	simm.s32 $0x10  }
0x92: {  	[smem:s4], [sflag:s15] =	dma.local [hbm:s2], $0x1  }
0x93: {  	_ =	swait.eq [sflag:s15], $0x1  }
0x94: {  	s16 =	sld [smem:$0x11];
	[sflag:s15] =	ssyncset.done $0x0  }
0x95: {  	s17 =	sld [smem:$0x12];
	[sflag:s15] =	ssyncadd.s32 $0xFFFFFFFF  }
0x96: {  	s18 =	sld [smem:$0x13];
	(tm) =	ssettm $0x1  }
0x97: {  	s5 =	sld [smem:$0x3FFB];
	_ =	sdelay $0x3  }
0x98: {  	_ =	strace s5  }
0x99: {  	s5 =	sld [smem:$0x3FFC];
	_ =	sdelay $0x3  }
0x9a: {  	_ =	strace s5  }
0x9b: {  	s5 =	sld [smem:$0x3FFD];
	_ =	sdelay $0x3  }
0x9c: {  	_ =	strace s5  }
0x9d: {  	_ =	strace $0x8FFFFFFF  }
0x9e: {  	s19 =	sld [smem:$0x3FDB];
	_ =	sdelay $0x1  }
0x9f: {  	s6 =	simm.s32 $_scs_section_size  }
0xa0: {  	s7 =	simm.s32 $_size__tile_overlayer_lowered;
	s8 =	simm.s32 $_tile_overlayer_lowered  }
0xa1: {  	s22 =	simm.s32 $0x1BFF;
	s21 =	sshll.u32 s8, $0x1;
	s5 =	sadd.s32 s6, s19  }
0xa2: {  	s9 =	simm.s32 $0x0;
	s20 =	sshll.u32 s7, $0x1;
	s7 =	sadd.s32 s21, s5  }
0xa3: {  	[timem:s9], [sflag:s22] =	dma.local [hbm:s7], s20  }
0xa4: {  	_ =	swait.ge [sflag:s22], s20  }
0xa5: {  	s6 =	ssub.s32 $0x0, s20;
	[sflag:s22] =	ssyncset.done $0x0  }
0xa6: {  	[sflag:s22] =	ssyncadd.s32 s6;
	_ =	sdelay $0x1  }
0xa7: {  	s23 =	simm.s32 $0x1B8B  }
0xa8: {  	_ =	swait.ge [sflag:s23], $0x1  }
0xa9: {  	[sflag:s23] =	ssyncset.done $0x0  }
0xaa: {  	s25 =	simm.s32 $0x1B8E;
	s24 =	sld [smem:$0x3FFE];
	[sflag:s23] =	ssyncadd.s32 $0xFFFFFFFF  }
0xab: {  	s26 =	simm.s32 $execute0_lowered;
	[smem:$0x3FD2] =	sst s25  }
0xac: {  	s7 =	sshll.u32 s26, $0x1;
	_ =	strace $0x80000046;
	[dreg:$0x1] =	wrdreg $0xFFFFFFFF  }
0xad: {  	s28 =	simm.s32 $_size_execute0_lowered;
	s5 =	sadd.s32 s5, s7;
	[dreg:$0x0] =	wrdreg $0x0  }
0xae: {  	s7 =	sshll.u32 s28, $0x1;
	[dreg:$0x2] =	wrdreg s5  }
0xaf: {  	[dreg:$0x3] =	wrdreg s7  }
0xb0: {  	[dreg:$0x4] =	wrdreg $0xC0  }
0xb1: {  	_ =	task [dreg:s9], $0x5FFFF  }
0xb2: {  	[dreg:$0x1] =	wrdreg $0xFFFFFFFF  }
0xb3: {  	[dreg:$0x0] =	wrdreg $0x60  }
0xb4: {  	[dreg:$0x2] =	wrdreg s16  }
0xb5: {  	[dreg:$0x3] =	wrdreg s24  }
0xb6: {  	[dreg:$0x4] =	wrdreg s17  }
0xb7: {  	[dreg:$0x5] =	wrdreg s18  }
0xb8: {  	[dreg:$0x6] =	wrdreg $0x28800  }
0xb9: {  	[dreg:$0x7] =	wrdreg $0x9  }
0xba: {  	_ =	task.clear_ibuf [dreg:s9], $0x8FFFF;
	_ =	strace $0x90000046  }
0xbb: {  	s29 =	simm.s32 $0x9;
	_ =	strace $0x80000048  }
0xbc: {  	_ =	swait.ge [sflag:s29], $0x1  }
0xbd: {  	[sflag:s29] =	ssyncadd.s32 $0xFFFFFFFF  }
0xbe: {  	_ =	strace $0x90000048  }
0xbf: {  	_ =	sfence  }
0xc0: {  	s30 =	sld [smem:$0x0];
	_ =	sdelay $0x2  }
0xc1: {  	s31 =	sshll.u32 s1, $0xD;
	s1 =	sshrl.u32 s1, $0x2  }
0xc2: {  	s3 =	sand.u32 $0x4000, s31;
	s1 =	sadd.s32 s1, s30  }
0xc3: {  	s0 =	sor.u32 s3, s0;
	s1 =	sshll.u32 s1, $0x11  }
0xc4: {  	s0 =	sor.u32 s1, s0  }
0xc5: {  	s0 =	sadd.s32 $0x8F2B, s0  }
0xc6: {  	[sflag:s0] =	ssyncadd.remote.s32 $0x1  }
0xc7: {  	_ =	sfence.sel $0xFFFF  }
0xc8: {  	[dreg:$0x0] =	wrdreg $0xFFFFFFFF;
	(pc) =	sbr.abs _section_cstart, $3  }
0xc9: {  	[dreg:$0x1] =	wrdreg $0xFFFFFFFF  }
0xca: {  	_ =	task.clear_ibuf [dreg:s9], $0x2FFFF;
	_ =	strace $0x9FFFFFFF  }
0xcb: {  	(tm) =	ssettm $0x7FFFFFFF  }
tec
execute0_lowered:
.L_overlay_start_1:
0x0: {  	(tag) =	ssettag $0x1  }
0x1: {  	s6 =	rddreg [dreg:$0x0]  }
0x2: {  	s4 =	rddreg [dreg:$0x1]  }
0x3: {  	s5 =	rddreg [dreg:$0x2]  }
0x4: {  	s7 =	rddreg [dreg:$0x3]  }
0x5: {  	s1 =	rddreg [dreg:$0x4]  }
0x6: {  	s0 =	rddreg [dreg:$0x5]  }
0x7: {  	s3 =	simm.s32 $0x0;
	s8 =	srdreg.scid;
	s2 =	stileid.u32  }
0x8: {  	s14 =	simm.s32 $0x20;
	s15 =	simm.s32 $0x10;
	s16 =	simm.s32 $0x0  }
0x9: {  	[smem:$0x7FF] =	sst s3;
	s8 =	sand.u32 $0x1, s8;
	s10 =	smul.u32 $0x280, s2  }
0xa: {  	s4 =	sadd.s32 $0x3800, s4;
	s13 =	smul.u32 $0x500, s2;
	s31 =	sshll.u32 s2, $0x6  }
0xb: {  	_ =	strace $0x80000047;
	s9 =	ssub.s32 $0x2, s8;
	s12 =	sshll.u32 s8, $0x4  }
0xc: {  	s8 =	sshll.u32 s8, $0x7;
	s11 =	sshrl.u32 s9, $0x1;
	s28 =	sor.u32 s2, s12  }
0xd: {  	s29 =	sshrl.u32 s10, $0x3;
	s8 =	sor.u32 s8, s13;
	s30 =	sadd.s32 s10, s1  }
0xe: {  	s10 =	simm.s32 $0x1;
	s13 =	simm.s32 $0x80;
	s9 =	ssub.s32 s9, s11  }
0xf: {  	s11 =	smul.u32 $0x500, s28;
	s5 =	sadd.s32 s5, s29;
	s8 =	sshrl.u32 s8, $0x3  }
0x10: {  	s12 =	sshrl.u32 s30, $0x3;
	s7 =	sadd.s32 s7, s8;
	s8 =	smax.u32 s9, $0x1  }
0x11: {  	s9 =	simm.s32 $0x2800;
	s6 =	sadd.s32 s6, s11;
	s11 =	sor.u32 $0x1C01, s31  }
.LBB2_1:
0x12: {  	[tilespmem:s9], [sflag:$0x1] =	stream.linear.gather [hbm4b:s4+s3], $0x80, $0x38;
	[tilespmem:$0x2B00] =	vst v63  }
0x13: {  	_ =	swait.ge [sflag:s10], $0x80  }
0x14: {  	[sflag:s10] =	ssyncset.done $0x0  }
0x15: {  	[sflag:s10] =	ssyncadd.s32 $0xFFFFFF80  }
0x16: {  	[spmem:s12], [sflag:s11] =	dma.local [hbm:s5], $0x50  }
0x17: {  	_ =	swait.ge [sflag:s10], $0x50  }
0x18: {  	[sflag:s10] =	ssyncset.done $0x0  }
0x19: {  	[sflag:s10] =	ssyncadd.s32 $0xFFFFFFB0  }
0x1a: {  	[tilespmem:s3], [sflag:$0x1] =	stream.linear.gather [hbm4b:s6+s3], $0x2800, $0x38;
	[tilespmem:$0x2B00] =	vst v63  }
0x1b: {  	_ =	swait.ge [sflag:s10], $0x2800  }
0x1c: {  	[sflag:s10] =	ssyncset.done $0x0  }
0x1d: {  	[sflag:s10] =	ssyncadd.s32 $0xFFFFD800  }
0x1e: {  	s17 =	simm.s32 $0x0;
	[bflag:$0x0] =	sbarrier.arrive $0xFFFF  }
0x1f: {  	[spmem:s1] =	stream.indirect.scatter.add.f32 [tilespmem:s9], [sflag:$0x1], $0x1, s17, s13, $0xb8;
	[tilespmem:$0x2B00] =	vst v63  }
0x20: {  	_ =	swait.ge [sflag:s10], $0x80  }
0x21: {  	s17 =	simm.s32 $0x200;
	[sflag:s10] =	ssyncset.done $0x0  }
.LBB2_2:
0x22: {  	s18 =	sshra.s32 s17, $0x2;
	[sflag:s10] =	ssyncadd.s32 $0xFFFFFF80;
	p0 =	sne.s32 s17, $0x9E00  }
0x23: {  	[spmem:s1] =	stream.indirect.scatter.add.f32 [tilespmem:s9], [sflag:$0x1], $0x1, s18, s13, $0xb8;
	[tilespmem:$0x2B00] =	vst v63  }
.Ltmp0:
0x24: {  	_ = 	snop;
	(pc) =	sbr.rel @p0 .LBB2_2-.Ltmp0, $4  }
0x25: {  	_ = 	snop  }
0x26: {  	s17 =	sadd.s32 $0x200, s17  }
0x27: {  	_ =	swait.ge [sflag:s10], $0x80  }
0x28: {  	[sflag:s10] =	ssyncset.done $0x0  }
0x29: {  	s16 =	sadd.s32 $0x1, s16  }
0x2a: {  	[sflag:s10] =	ssyncadd.s32 $0xFFFFFF80;
	p0 =	sne.s32 s16, s8  }
.Ltmp1:
0x2b: {  	[bflag:$0x0] =	sbarrier.arrive $0xFFFF;
	(pc) =	sbr.rel @p0 .LBB2_1-.Ltmp1, $4  }
0x2c: {  	[hbm:s7@s14], [sflag:s11] =	dma.strided [spmem:s12@s15], $0x50, s10, $0x10   }
0x2d: {  	_ =	swait.ge [sflag:s10], $0x50  }
0x2e: {  	[sflag:s10] =	ssyncset.done $0x0  }
0x2f: {  	[sflag:s10] =	ssyncadd.s32 $0xFFFFFFB0  }
0x30: {  	_ =	sfence.sel $0x180000  }
0x31: {  	[bflag:$0x0] =	sbarrier.arrive $0xFFFF  }
0x32: {  	p0 =	sne.s32 s2, $0x0;
	_ =	strace $0x90000047  }
0x33: {  	s0 =	sadd.s32 @!p0 $0x100000, s0;
	[bflag:$0x2] =	sbarrier.arrive $0xFFFF  }
0x34: {  	[sflag:s0] =	ssyncadd.tile.s32 @!p0 $0x1;
	_ =	shalt  }
.Lfunc_end2:
_tile_overlayer_lowered:
.L_overlay_start_2:
0x35: {  	(tag) =	ssettag $0x2  }
0x36: {  	s0 =	rddreg [dreg:$0x0];
	s2 =	stileid.u32  }
0x37: {  	s1 =	rddreg [dreg:$0x1];
	p0 =	sne.s32 s2, $0x0  }
0x38: {  	s3 =	rddreg [dreg:$0x2];
	[bflag:$0x3] =	sbarrier.arrive $0xFFFF;
	s2 =	simm.s32 @!p0 $0x1C01  }
0x39: {  	[timem:s3], [sflag:s2] =	dma.local @!p0 [hbm:s0], s1  }
0x3a: {  	s0 =	simm.s32 @!p0 $0x1  }
0x3b: {  	_ =	swait.ge @!p0 [sflag:s0], s1  }
0x3c: {  	s1 =	ssub.s32 @!p0 $0x0, s1;
	[sflag:s0] =	ssyncset.done @!p0 $0x0  }
0x3d: {  	[sflag:s0] =	ssyncadd.s32 @!p0 s1  }
0x3e: {  	[bflag:$0x3] =	sbarrier.arrive $0xFFFF  }
0x3f: {  	_ =	shalt  }

</sc_bundles>
